<compile_context>
chip_gen: v7x
topology: tpu7x:2x2x1
jax: 0.10.2.dev20260603
libtpu: 0.0.44.dev20260713+nightly
codegen_flags: <defaults>
</compile_context>

<pallas_src>
import functools
import numpy as np
import jax
import jax.numpy as jnp
from jax import lax
from jax.experimental import pallas as pl
from jax.experimental.pallas import tpu as pltpu
from jax.experimental.pallas import tpu_sc as plsc

_ROT = ((13, 15, 26, 6), (17, 29, 16, 24))


def _np_threefry2x32(key, c1, c2):
    m = 0xFFFFFFFF
    ks = (key[0], key[1], key[0] ^ key[1] ^ 0x1BD11BDA)
    x0, x1 = (c1 + ks[0]) & m, (c2 + ks[1]) & m
    for i in range(5):
        for r in _ROT[i % 2]:
            x0 = (x0 + x1) & m
            x1 = ((x1 << r) | (x1 >> (32 - r))) & m
            x1 ^= x0
        x0 = (x0 + ks[(i + 1) % 3]) & m
        x1 = (x1 + ks[(i + 2) % 3] + i + 1) & m
    return x0, x1


_K_HI = _np_threefry2x32((0, 42), 0, 0)
_K_LO = _np_threefry2x32((0, 42), 0, 1)

_N = 4096 * 50
_NW = 32
_CHUNK = _N // _NW
_VEC = 16
_ITERS = _CHUNK // _VEC


def _cu(v):
    return jnp.full((_VEC,), np.uint32(v & 0xFFFFFFFF), jnp.uint32)


def _threefry_xor(key, cnt):
    ka, kb = key
    kc = ka ^ kb ^ 0x1BD11BDA
    ks = (ka, kb, kc)
    x0 = _cu(ka)
    x1 = cnt + _cu(kb)
    for i in range(5):
        for r in _ROT[i % 2]:
            x0 = x0 + x1
            x1 = (x1 << _cu(r)) | lax.shift_right_logical(x1, _cu(32 - r))
            x1 = x1 ^ x0
        x0 = x0 + _cu(ks[(i + 1) % 3])
        x1 = x1 + _cu(ks[(i + 2) % 3] + i + 1)
    return x0 ^ x1


def _mod99(n):
    t = lax.shift_right_logical(n, _cu(16)) * _cu(97) + (n & _cu(0xFFFF))
    t = lax.shift_right_logical(t, _cu(16)) * _cu(97) + (t & _cu(0xFFFF))
    q = lax.shift_right_logical(t * _cu(42367), _cu(22))
    return t - q * _cu(99)


_mesh = plsc.VectorSubcoreMesh(core_axis_name="c", subcore_axis_name="s")


@functools.partial(
    pl.kernel,
    mesh=_mesh,
    out_type=jax.ShapeDtypeStruct((_N,), jnp.int32),
    scratch_types=[
        pltpu.VMEM((_CHUNK,), jnp.int32),
        pltpu.VMEM((_CHUNK,), jnp.int32),
    ],
)
def _sc_kernel(x_hbm, out_hbm, x_v, o_v):
    wid = lax.axis_index("s") * 2 + lax.axis_index("c")
    base = wid * _CHUNK
    pltpu.sync_copy(x_hbm.at[pl.ds(base, _CHUNK)], x_v)
    iota = lax.iota(jnp.int32, _VEC)

    def body(j, carry):
        cnt_i = jnp.full((_VEC,), base + j * _VEC, jnp.int32) + iota
        cnt = lax.convert_element_type(cnt_i, jnp.uint32)
        hb = _threefry_xor(_K_HI, cnt)
        lb = _threefry_xor(_K_LO, cnt)
        v = _mod99(hb) * _cu(4) + _mod99(lb)
        q = lax.shift_right_logical(v * _cu(1325), _cu(17))
        off = lax.convert_element_type(v - q * _cu(99), jnp.int32)
        xv = x_v[pl.ds(j * _VEC, _VEC)]
        o_v[pl.ds(j * _VEC, _VEC)] = off + jnp.where(off >= xv, jnp.full((_VEC,), 1, jnp.int32), jnp.full((_VEC,), 0, jnp.int32))
        return carry

    lax.fori_loop(0, _ITERS, body, 0)
    pltpu.sync_copy(o_v, out_hbm.at[pl.ds(base, _CHUNK)])


def kernel(x):
    out = _sc_kernel(x.reshape(_N))
    return out.reshape(x.shape)

# --- scband reference (transcript-rebuilt; emitter-appended) ---
"""Pipeline reference for scband-random-replace-action-2731599200797 (READ-ONLY COPY).

The authoritative reference and input builder live on the scoring server;
editing this copy changes nothing except your own understanding.
"""

import jax, jax.numpy as jnp
import numpy as np

NUM_ACTIONS = 100


def setup_inputs(seed: int = 0) -> dict:
    key = jax.random.key(seed)
    x = jax.random.randint(key, (4096, 50), 0, NUM_ACTIONS)
    return {"x": x}


def reference(x):
    # Faithful translation of RandomReplaceAction.forward:
    # for each element of x, pick uniformly at random one of the (num_actions - 1)
    # actions that differ from x.
    num_actions = NUM_ACTIONS
    x_shape = x.shape
    xr = x.reshape(-1, 1)                                   # x.view(-1, 1)
    N = xr.shape[0]
    # Row i of the masked select is the sorted actions with x_i removed:
    # entry j equals j if j < x_i else j + 1. Fixed-shape equivalent of
    # actions_rep[actions != xr].reshape(N, num_actions - 1).
    cols = jnp.arange(0, num_actions - 1)[None, :]
    actions_wo = cols + (cols >= xr).astype(cols.dtype)
    # torch.randint(0, num_actions - 1, size=x.shape) where x here is [N, 1]
    choice = jax.random.randint(jax.random.key(42), (N, 1), 0, num_actions - 1)
    out = jnp.take_along_axis(actions_wo, choice, axis=-1)  # actions.gather(-1, choice)
    return out.reshape(x_shape)

if __name__ == "__main__":
    import jax
    _d = setup_inputs()
    print(jax.jit(kernel)(*tuple(_d.values())))

</pallas_src>

<mosaic_0001>
#map = affine_map<(d0, d1) -> (0)>
module attributes {stable_mosaic.version = 14 : i64} {
  func.func @_sc_kernel(%arg0: i32, %arg1: i32, %arg2: memref<204800xi32, #tpu.memory_space<hbm>>, %arg3: memref<204800xi32, #tpu.memory_space<hbm>>, %arg4: memref<6400xi32, #tpu.memory_space<vmem>>, %arg5: memref<6400xi32, #tpu.memory_space<vmem>>) attributes {dimension_semantics = [#tpu.dimension_semantics<core_parallel>, #tpu.dimension_semantics<subcore_parallel>], iteration_bounds = array<i64: 2, 16>, scalar_prefetch = 0 : i64, scratch_operands = 2 : i64, tpu.core_type = #tpu.core_type<sc_vector_subcore>, window_params = [{transform_indices = #map}, {transform_indices = #map}]} {
    %mul3A = arith.constant 2 : i32
    %mul3A_0 = arith.muli %arg1, %mul3A : i32
    %add3A = arith.addi %mul3A_0, %arg0 : i32
    %mul3A_1 = arith.constant 6400 : i32
    %mul3A_2 = arith.muli %add3A, %mul3A_1 : i32
    "tpu.region"() ({
      %run_scoped3A = tpu.sem_alloc : memref<!tpu.dma_semaphore, #tpu.memory_space<semaphore_mem>>
      %dma_start3A = tpu.memref_slice %arg2[%mul3A_2] : memref<204800xi32, #tpu.memory_space<hbm>> -> memref<6400xi32, #tpu.memory_space<hbm>>
      %dma_start3A_8 = tpu.memref_slice %arg2[%mul3A_2] : memref<204800xi32, #tpu.memory_space<hbm>> -> memref<6400xi32, #tpu.memory_space<hbm>>
      tpu.enqueue_dma source(%dma_start3A_8 : memref<6400xi32, #tpu.memory_space<hbm>>) target(%arg4 : memref<6400xi32, #tpu.memory_space<vmem>>) target_semaphore(%run_scoped3A : memref<!tpu.dma_semaphore, #tpu.memory_space<semaphore_mem>>)
      %dma_wait3A = tpu.memref_slice %arg2[%mul3A_2] : memref<204800xi32, #tpu.memory_space<hbm>> -> memref<6400xi32, #tpu.memory_space<hbm>>
      %dma_wait3A_9 = tpu.memref_slice %arg2[%mul3A_2] : memref<204800xi32, #tpu.memory_space<hbm>> -> memref<6400xi32, #tpu.memory_space<hbm>>
      tpu.wait_dma2 semaphore(%run_scoped3A : memref<!tpu.dma_semaphore, #tpu.memory_space<semaphore_mem>>) src(%dma_wait3A_9 : memref<6400xi32, #tpu.memory_space<hbm>>) dst(%arg4 : memref<6400xi32, #tpu.memory_space<vmem>>)
      tpu.yield
    }) : () -> ()
    %iota3A = tpu.iota {dimensions = array<i32: 0>} : vector<16xi32>
    %scan3A = arith.constant 0 : i32
    %scan3A_3 = arith.constant 0 : i32
    %scan3A_4 = arith.constant 400 : i32
    %scan3A_5 = arith.addi %scan3A_3, %scan3A_4 : i32
    %scan3A_6 = arith.constant 1 : i32
    scf.for %scan3A_8 = %scan3A_3 to %scan3A_5 step %scan3A_6  : i32 {
      %mul3A_9 = arith.constant 16 : i32
      %mul3A_10 = arith.muli %scan3A_8, %mul3A_9 : i32
      %add3A_11 = arith.addi %mul3A_2, %mul3A_10 : i32
      %broadcast_in_dim3A = vector.broadcast %add3A_11 : i32 to vector<16xi32>
      %add3A_12 = arith.addi %broadcast_in_dim3A, %iota3A : vector<16xi32>
      %broadcast_in_dim3A_13 = arith.constant 1832780943 : i32
      %broadcast_in_dim3A_14 = vector.broadcast %broadcast_in_dim3A_13 : i32 to vector<16xi32>
      %broadcast_in_dim3A_15 = arith.constant 270669613 : i32
      %broadcast_in_dim3A_16 = vector.broadcast %broadcast_in_dim3A_15 : i32 to vector<16xi32>
      %add3A_17 = arith.addi %add3A_12, %broadcast_in_dim3A_16 : vector<16xi32>
      %add3A_18 = arith.addi %broadcast_in_dim3A_14, %add3A_17 : vector<16xi32>
      %broadcast_in_dim3A_19 = arith.constant 13 : i32
      %broadcast_in_dim3A_20 = vector.broadcast %broadcast_in_dim3A_19 : i32 to vector<16xi32>
      %shift_left3A = arith.shli %add3A_17, %broadcast_in_dim3A_20 : vector<16xi32>
      %broadcast_in_dim3A_21 = arith.constant 19 : i32
      %broadcast_in_dim3A_22 = vector.broadcast %broadcast_in_dim3A_21 : i32 to vector<16xi32>
      %shift_right_logical3A = arith.shrui %add3A_17, %broadcast_in_dim3A_22 : vector<16xi32>
      %or3A = arith.ori %shift_left3A, %shift_right_logical3A : vector<16xi32>
      %xor3A = arith.xori %or3A, %add3A_18 : vector<16xi32>
      %add3A_23 = arith.addi %add3A_18, %xor3A : vector<16xi32>
      %broadcast_in_dim3A_24 = arith.constant 15 : i32
      %broadcast_in_dim3A_25 = vector.broadcast %broadcast_in_dim3A_24 : i32 to vector<16xi32>
      %shift_left3A_26 = arith.shli %xor3A, %broadcast_in_dim3A_25 : vector<16xi32>
      %broadcast_in_dim3A_27 = arith.constant 17 : i32
      %broadcast_in_dim3A_28 = vector.broadcast %broadcast_in_dim3A_27 : i32 to vector<16xi32>
      %shift_right_logical3A_29 = arith.shrui %xor3A, %broadcast_in_dim3A_28 : vector<16xi32>
      %or3A_30 = arith.ori %shift_left3A_26, %shift_right_logical3A_29 : vector<16xi32>
      %xor3A_31 = arith.xori %or3A_30, %add3A_23 : vector<16xi32>
      %add3A_32 = arith.addi %add3A_23, %xor3A_31 : vector<16xi32>
      %broadcast_in_dim3A_33 = arith.constant 26 : i32
      %broadcast_in_dim3A_34 = vector.broadcast %broadcast_in_dim3A_33 : i32 to vector<16xi32>
      %shift_left3A_35 = arith.shli %xor3A_31, %broadcast_in_dim3A_34 : vector<16xi32>
      %broadcast_in_dim3A_36 = arith.constant 6 : i32
      %broadcast_in_dim3A_37 = vector.broadcast %broadcast_in_dim3A_36 : i32 to vector<16xi32>
      %shift_right_logical3A_38 = arith.shrui %xor3A_31, %broadcast_in_dim3A_37 : vector<16xi32>
      %or3A_39 = arith.ori %shift_left3A_35, %shift_right_logical3A_38 : vector<16xi32>
      %xor3A_40 = arith.xori %or3A_39, %add3A_32 : vector<16xi32>
      %add3A_41 = arith.addi %add3A_32, %xor3A_40 : vector<16xi32>
      %broadcast_in_dim3A_42 = arith.constant 6 : i32
      %broadcast_in_dim3A_43 = vector.broadcast %broadcast_in_dim3A_42 : i32 to vector<16xi32>
      %shift_left3A_44 = arith.shli %xor3A_40, %broadcast_in_dim3A_43 : vector<16xi32>
      %broadcast_in_dim3A_45 = arith.constant 26 : i32
      %broadcast_in_dim3A_46 = vector.broadcast %broadcast_in_dim3A_45 : i32 to vector<16xi32>
      %shift_right_logical3A_47 = arith.shrui %xor3A_40, %broadcast_in_dim3A_46 : vector<16xi32>
      %or3A_48 = arith.ori %shift_left3A_44, %shift_right_logical3A_47 : vector<16xi32>
      %xor3A_49 = arith.xori %or3A_48, %add3A_41 : vector<16xi32>
      %broadcast_in_dim3A_50 = arith.constant 270669613 : i32
      %broadcast_in_dim3A_51 = vector.broadcast %broadcast_in_dim3A_50 : i32 to vector<16xi32>
      %add3A_52 = arith.addi %add3A_41, %broadcast_in_dim3A_51 : vector<16xi32>
      %broadcast_in_dim3A_53 = arith.constant 1724713081 : i32
      %broadcast_in_dim3A_54 = vector.broadcast %broadcast_in_dim3A_53 : i32 to vector<16xi32>
      %add3A_55 = arith.addi %xor3A_49, %broadcast_in_dim3A_54 : vector<16xi32>
      %add3A_56 = arith.addi %add3A_52, %add3A_55 : vector<16xi32>
      %broadcast_in_dim3A_57 = arith.constant 17 : i32
      %broadcast_in_dim3A_58 = vector.broadcast %broadcast_in_dim3A_57 : i32 to vector<16xi32>
      %shift_left3A_59 = arith.shli %add3A_55, %broadcast_in_dim3A_58 : vector<16xi32>
      %broadcast_in_dim3A_60 = arith.constant 15 : i32
      %broadcast_in_dim3A_61 = vector.broadcast %broadcast_in_dim3A_60 : i32 to vector<16xi32>
      %shift_right_logical3A_62 = arith.shrui %add3A_55, %broadcast_in_dim3A_61 : vector<16xi32>
      %or3A_63 = arith.ori %shift_left3A_59, %shift_right_logical3A_62 : vector<16xi32>
      %xor3A_64 = arith.xori %or3A_63, %add3A_56 : vector<16xi32>
      %add3A_65 = arith.addi %add3A_56, %xor3A_64 : vector<16xi32>
      %broadcast_in_dim3A_66 = arith.constant 29 : i32
      %broadcast_in_dim3A_67 = vector.broadcast %broadcast_in_dim3A_66 : i32 to vector<16xi32>
      %shift_left3A_68 = arith.shli %xor3A_64, %broadcast_in_dim3A_67 : vector<16xi32>
      %broadcast_in_dim3A_69 = arith.constant 3 : i32
      %broadcast_in_dim3A_70 = vector.broadcast %broadcast_in_dim3A_69 : i32 to vector<16xi32>
      %shift_right_logical3A_71 = arith.shrui %xor3A_64, %broadcast_in_dim3A_70 : vector<16xi32>
      %or3A_72 = arith.ori %shift_left3A_68, %shift_right_logical3A_71 : vector<16xi32>
      %xor3A_73 = arith.xori %or3A_72, %add3A_65 : vector<16xi32>
      %add3A_74 = arith.addi %add3A_65, %xor3A_73 : vector<16xi32>
      %broadcast_in_dim3A_75 = arith.constant 16 : i32
      %broadcast_in_dim3A_76 = vector.broadcast %broadcast_in_dim3A_75 : i32 to vector<16xi32>
      %shift_left3A_77 = arith.shli %xor3A_73, %broadcast_in_dim3A_76 : vector<16xi32>
      %broadcast_in_dim3A_78 = arith.constant 16 : i32
      %broadcast_in_dim3A_79 = vector.broadcast %broadcast_in_dim3A_78 : i32 to vector<16xi32>
      %shift_right_logical3A_80 = arith.shrui %xor3A_73, %broadcast_in_dim3A_79 : vector<16xi32>
      %or3A_81 = arith.ori %shift_left3A_77, %shift_right_logical3A_80 : vector<16xi32>
      %xor3A_82 = arith.xori %or3A_81, %add3A_74 : vector<16xi32>
      %add3A_83 = arith.addi %add3A_74, %xor3A_82 : vector<16xi32>
      %broadcast_in_dim3A_84 = arith.constant 24 : i32
      %broadcast_in_dim3A_85 = vector.broadcast %broadcast_in_dim3A_84 : i32 to vector<16xi32>
      %shift_left3A_86 = arith.shli %xor3A_82, %broadcast_in_dim3A_85 : vector<16xi32>
      %broadcast_in_dim3A_87 = arith.constant 8 : i32
      %broadcast_in_dim3A_88 = vector.broadcast %broadcast_in_dim3A_87 : i32 to vector<16xi32>
      %shift_right_logical3A_89 = arith.shrui %xor3A_82, %broadcast_in_dim3A_88 : vector<16xi32>
      %or3A_90 = arith.ori %shift_left3A_86, %shift_right_logical3A_89 : vector<16xi32>
      %xor3A_91 = arith.xori %or3A_90, %add3A_83 : vector<16xi32>
      %broadcast_in_dim3A_92 = arith.constant 1724713080 : i32
      %broadcast_in_dim3A_93 = vector.broadcast %broadcast_in_dim3A_92 : i32 to vector<16xi32>
      %add3A_94 = arith.addi %add3A_83, %broadcast_in_dim3A_93 : vector<16xi32>
      %broadcast_in_dim3A_95 = arith.constant 1832780945 : i32
      %broadcast_in_dim3A_96 = vector.broadcast %broadcast_in_dim3A_95 : i32 to vector<16xi32>
      %add3A_97 = arith.addi %xor3A_91, %broadcast_in_dim3A_96 : vector<16xi32>
      %add3A_98 = arith.addi %add3A_94, %add3A_97 : vector<16xi32>
      %broadcast_in_dim3A_99 = arith.constant 13 : i32
      %broadcast_in_dim3A_100 = vector.broadcast %broadcast_in_dim3A_99 : i32 to vector<16xi32>
      %shift_left3A_101 = arith.shli %add3A_97, %broadcast_in_dim3A_100 : vector<16xi32>
      %broadcast_in_dim3A_102 = arith.constant 19 : i32
      %broadcast_in_dim3A_103 = vector.broadcast %broadcast_in_dim3A_102 : i32 to vector<16xi32>
      %shift_right_logical3A_104 = arith.shrui %add3A_97, %broadcast_in_dim3A_103 : vector<16xi32>
      %or3A_105 = arith.ori %shift_left3A_101, %shift_right_logical3A_104 : vector<16xi32>
      %xor3A_106 = arith.xori %or3A_105, %add3A_98 : vector<16xi32>
      %add3A_107 = arith.addi %add3A_98, %xor3A_106 : vector<16xi32>
      %broadcast_in_dim3A_108 = arith.constant 15 : i32
      %broadcast_in_dim3A_109 = vector.broadcast %broadcast_in_dim3A_108 : i32 to vector<16xi32>
      %shift_left3A_110 = arith.shli %xor3A_106, %broadcast_in_dim3A_109 : vector<16xi32>
      %broadcast_in_dim3A_111 = arith.constant 17 : i32
      %broadcast_in_dim3A_112 = vector.broadcast %broadcast_in_dim3A_111 : i32 to vector<16xi32>
      %shift_right_logical3A_113 = arith.shrui %xor3A_106, %broadcast_in_dim3A_112 : vector<16xi32>
      %or3A_114 = arith.ori %shift_left3A_110, %shift_right_logical3A_113 : vector<16xi32>
      %xor3A_115 = arith.xori %or3A_114, %add3A_107 : vector<16xi32>
      %add3A_116 = arith.addi %add3A_107, %xor3A_115 : vector<16xi32>
      %broadcast_in_dim3A_117 = arith.constant 26 : i32
      %broadcast_in_dim3A_118 = vector.broadcast %broadcast_in_dim3A_117 : i32 to vector<16xi32>
      %shift_left3A_119 = arith.shli %xor3A_115, %broadcast_in_dim3A_118 : vector<16xi32>
      %broadcast_in_dim3A_120 = arith.constant 6 : i32
      %broadcast_in_dim3A_121 = vector.broadcast %broadcast_in_dim3A_120 : i32 to vector<16xi32>
      %shift_right_logical3A_122 = arith.shrui %xor3A_115, %broadcast_in_dim3A_121 : vector<16xi32>
      %or3A_123 = arith.ori %shift_left3A_119, %shift_right_logical3A_122 : vector<16xi32>
      %xor3A_124 = arith.xori %or3A_123, %add3A_116 : vector<16xi32>
      %add3A_125 = arith.addi %add3A_116, %xor3A_124 : vector<16xi32>
      %broadcast_in_dim3A_126 = arith.constant 6 : i32
      %broadcast_in_dim3A_127 = vector.broadcast %broadcast_in_dim3A_126 : i32 to vector<16xi32>
      %shift_left3A_128 = arith.shli %xor3A_124, %broadcast_in_dim3A_127 : vector<16xi32>
      %broadcast_in_dim3A_129 = arith.constant 26 : i32
      %broadcast_in_dim3A_130 = vector.broadcast %broadcast_in_dim3A_129 : i32 to vector<16xi32>
      %shift_right_logical3A_131 = arith.shrui %xor3A_124, %broadcast_in_dim3A_130 : vector<16xi32>
      %or3A_132 = arith.ori %shift_left3A_128, %shift_right_logical3A_131 : vector<16xi32>
      %xor3A_133 = arith.xori %or3A_132, %add3A_125 : vector<16xi32>
      %broadcast_in_dim3A_134 = arith.constant 1832780943 : i32
      %broadcast_in_dim3A_135 = vector.broadcast %broadcast_in_dim3A_134 : i32 to vector<16xi32>
      %add3A_136 = arith.addi %add3A_125, %broadcast_in_dim3A_135 : vector<16xi32>
      %broadcast_in_dim3A_137 = arith.constant 270669616 : i32
      %broadcast_in_dim3A_138 = vector.broadcast %broadcast_in_dim3A_137 : i32 to vector<16xi32>
      %add3A_139 = arith.addi %xor3A_133, %broadcast_in_dim3A_138 : vector<16xi32>
      %add3A_140 = arith.addi %add3A_136, %add3A_139 : vector<16xi32>
      %broadcast_in_dim3A_141 = arith.constant 17 : i32
      %broadcast_in_dim3A_142 = vector.broadcast %broadcast_in_dim3A_141 : i32 to vector<16xi32>
      %shift_left3A_143 = arith.shli %add3A_139, %broadcast_in_dim3A_142 : vector<16xi32>
      %broadcast_in_dim3A_144 = arith.constant 15 : i32
      %broadcast_in_dim3A_145 = vector.broadcast %broadcast_in_dim3A_144 : i32 to vector<16xi32>
      %shift_right_logical3A_146 = arith.shrui %add3A_139, %broadcast_in_dim3A_145 : vector<16xi32>
      %or3A_147 = arith.ori %shift_left3A_143, %shift_right_logical3A_146 : vector<16xi32>
      %xor3A_148 = arith.xori %or3A_147, %add3A_140 : vector<16xi32>
      %add3A_149 = arith.addi %add3A_140, %xor3A_148 : vector<16xi32>
      %broadcast_in_dim3A_150 = arith.constant 29 : i32
      %broadcast_in_dim3A_151 = vector.broadcast %broadcast_in_dim3A_150 : i32 to vector<16xi32>
      %shift_left3A_152 = arith.shli %xor3A_148, %broadcast_in_dim3A_151 : vector<16xi32>
      %broadcast_in_dim3A_153 = arith.constant 3 : i32
      %broadcast_in_dim3A_154 = vector.broadcast %broadcast_in_dim3A_153 : i32 to vector<16xi32>
      %shift_right_logical3A_155 = arith.shrui %xor3A_148, %broadcast_in_dim3A_154 : vector<16xi32>
      %or3A_156 = arith.ori %shift_left3A_152, %shift_right_logical3A_155 : vector<16xi32>
      %xor3A_157 = arith.xori %or3A_156, %add3A_149 : vector<16xi32>
      %add3A_158 = arith.addi %add3A_149, %xor3A_157 : vector<16xi32>
      %broadcast_in_dim3A_159 = arith.constant 16 : i32
      %broadcast_in_dim3A_160 = vector.broadcast %broadcast_in_dim3A_159 : i32 to vector<16xi32>
      %shift_left3A_161 = arith.shli %xor3A_157, %broadcast_in_dim3A_160 : vector<16xi32>
      %broadcast_in_dim3A_162 = arith.constant 16 : i32
      %broadcast_in_dim3A_163 = vector.broadcast %broadcast_in_dim3A_162 : i32 to vector<16xi32>
      %shift_right_logical3A_164 = arith.shrui %xor3A_157, %broadcast_in_dim3A_163 : vector<16xi32>
      %or3A_165 = arith.ori %shift_left3A_161, %shift_right_logical3A_164 : vector<16xi32>
      %xor3A_166 = arith.xori %or3A_165, %add3A_158 : vector<16xi32>
      %add3A_167 = arith.addi %add3A_158, %xor3A_166 : vector<16xi32>
      %broadcast_in_dim3A_168 = arith.constant 24 : i32
      %broadcast_in_dim3A_169 = vector.broadcast %broadcast_in_dim3A_168 : i32 to vector<16xi32>
      %shift_left3A_170 = arith.shli %xor3A_166, %broadcast_in_dim3A_169 : vector<16xi32>
      %broadcast_in_dim3A_171 = arith.constant 8 : i32
      %broadcast_in_dim3A_172 = vector.broadcast %broadcast_in_dim3A_171 : i32 to vector<16xi32>
      %shift_right_logical3A_173 = arith.shrui %xor3A_166, %broadcast_in_dim3A_172 : vector<16xi32>
      %or3A_174 = arith.ori %shift_left3A_170, %shift_right_logical3A_173 : vector<16xi32>
      %xor3A_175 = arith.xori %or3A_174, %add3A_167 : vector<16xi32>
      %broadcast_in_dim3A_176 = arith.constant 270669613 : i32
      %broadcast_in_dim3A_177 = vector.broadcast %broadcast_in_dim3A_176 : i32 to vector<16xi32>
      %add3A_178 = arith.addi %add3A_167, %broadcast_in_dim3A_177 : vector<16xi32>
      %broadcast_in_dim3A_179 = arith.constant 1724713084 : i32
      %broadcast_in_dim3A_180 = vector.broadcast %broadcast_in_dim3A_179 : i32 to vector<16xi32>
      %add3A_181 = arith.addi %xor3A_175, %broadcast_in_dim3A_180 : vector<16xi32>
      %add3A_182 = arith.addi %add3A_178, %add3A_181 : vector<16xi32>
      %broadcast_in_dim3A_183 = arith.constant 13 : i32
      %broadcast_in_dim3A_184 = vector.broadcast %broadcast_in_dim3A_183 : i32 to vector<16xi32>
      %shift_left3A_185 = arith.shli %add3A_181, %broadcast_in_dim3A_184 : vector<16xi32>
      %broadcast_in_dim3A_186 = arith.constant 19 : i32
      %broadcast_in_dim3A_187 = vector.broadcast %broadcast_in_dim3A_186 : i32 to vector<16xi32>
      %shift_right_logical3A_188 = arith.shrui %add3A_181, %broadcast_in_dim3A_187 : vector<16xi32>
      %or3A_189 = arith.ori %shift_left3A_185, %shift_right_logical3A_188 : vector<16xi32>
      %xor3A_190 = arith.xori %or3A_189, %add3A_182 : vector<16xi32>
      %add3A_191 = arith.addi %add3A_182, %xor3A_190 : vector<16xi32>
      %broadcast_in_dim3A_192 = arith.constant 15 : i32
      %broadcast_in_dim3A_193 = vector.broadcast %broadcast_in_dim3A_192 : i32 to vector<16xi32>
      %shift_left3A_194 = arith.shli %xor3A_190, %broadcast_in_dim3A_193 : vector<16xi32>
      %broadcast_in_dim3A_195 = arith.constant 17 : i32
      %broadcast_in_dim3A_196 = vector.broadcast %broadcast_in_dim3A_195 : i32 to vector<16xi32>
      %shift_right_logical3A_197 = arith.shrui %xor3A_190, %broadcast_in_dim3A_196 : vector<16xi32>
      %or3A_198 = arith.ori %shift_left3A_194, %shift_right_logical3A_197 : vector<16xi32>
      %xor3A_199 = arith.xori %or3A_198, %add3A_191 : vector<16xi32>
      %add3A_200 = arith.addi %add3A_191, %xor3A_199 : vector<16xi32>
      %broadcast_in_dim3A_201 = arith.constant 26 : i32
      %broadcast_in_dim3A_202 = vector.broadcast %broadcast_in_dim3A_201 : i32 to vector<16xi32>
      %shift_left3A_203 = arith.shli %xor3A_199, %broadcast_in_dim3A_202 : vector<16xi32>
      %broadcast_in_dim3A_204 = arith.constant 6 : i32
      %broadcast_in_dim3A_205 = vector.broadcast %broadcast_in_dim3A_204 : i32 to vector<16xi32>
      %shift_right_logical3A_206 = arith.shrui %xor3A_199, %broadcast_in_dim3A_205 : vector<16xi32>
      %or3A_207 = arith.ori %shift_left3A_203, %shift_right_logical3A_206 : vector<16xi32>
      %xor3A_208 = arith.xori %or3A_207, %add3A_200 : vector<16xi32>
      %add3A_209 = arith.addi %add3A_200, %xor3A_208 : vector<16xi32>
      %broadcast_in_dim3A_210 = arith.constant 6 : i32
      %broadcast_in_dim3A_211 = vector.broadcast %broadcast_in_dim3A_210 : i32 to vector<16xi32>
      %shift_left3A_212 = arith.shli %xor3A_208, %broadcast_in_dim3A_211 : vector<16xi32>
      %broadcast_in_dim3A_213 = arith.constant 26 : i32
      %broadcast_in_dim3A_214 = vector.broadcast %broadcast_in_dim3A_213 : i32 to vector<16xi32>
      %shift_right_logical3A_215 = arith.shrui %xor3A_208, %broadcast_in_dim3A_214 : vector<16xi32>
      %or3A_216 = arith.ori %shift_left3A_212, %shift_right_logical3A_215 : vector<16xi32>
      %xor3A_217 = arith.xori %or3A_216, %add3A_209 : vector<16xi32>
      %broadcast_in_dim3A_218 = arith.constant 1724713080 : i32
      %broadcast_in_dim3A_219 = vector.broadcast %broadcast_in_dim3A_218 : i32 to vector<16xi32>
      %add3A_220 = arith.addi %add3A_209, %broadcast_in_dim3A_219 : vector<16xi32>
      %broadcast_in_dim3A_221 = arith.constant 1832780948 : i32
      %broadcast_in_dim3A_222 = vector.broadcast %broadcast_in_dim3A_221 : i32 to vector<16xi32>
      %add3A_223 = arith.addi %xor3A_217, %broadcast_in_dim3A_222 : vector<16xi32>
      %xor3A_224 = arith.xori %add3A_220, %add3A_223 : vector<16xi32>
      %broadcast_in_dim3A_225 = arith.constant 64467757 : i32
      %broadcast_in_dim3A_226 = vector.broadcast %broadcast_in_dim3A_225 : i32 to vector<16xi32>
      %broadcast_in_dim3A_227 = arith.constant -1378843660 : i32
      %broadcast_in_dim3A_228 = vector.broadcast %broadcast_in_dim3A_227 : i32 to vector<16xi32>
      %add3A_229 = arith.addi %add3A_12, %broadcast_in_dim3A_228 : vector<16xi32>
      %add3A_230 = arith.addi %broadcast_in_dim3A_226, %add3A_229 : vector<16xi32>
      %broadcast_in_dim3A_231 = arith.constant 13 : i32
      %broadcast_in_dim3A_232 = vector.broadcast %broadcast_in_dim3A_231 : i32 to vector<16xi32>
      %shift_left3A_233 = arith.shli %add3A_229, %broadcast_in_dim3A_232 : vector<16xi32>
      %broadcast_in_dim3A_234 = arith.constant 19 : i32
      %broadcast_in_dim3A_235 = vector.broadcast %broadcast_in_dim3A_234 : i32 to vector<16xi32>
      %shift_right_logical3A_236 = arith.shrui %add3A_229, %broadcast_in_dim3A_235 : vector<16xi32>
      %or3A_237 = arith.ori %shift_left3A_233, %shift_right_logical3A_236 : vector<16xi32>
      %xor3A_238 = arith.xori %or3A_237, %add3A_230 : vector<16xi32>
      %add3A_239 = arith.addi %add3A_230, %xor3A_238 : vector<16xi32>
      %broadcast_in_dim3A_240 = arith.constant 15 : i32
      %broadcast_in_dim3A_241 = vector.broadcast %broadcast_in_dim3A_240 : i32 to vector<16xi32>
      %shift_left3A_242 = arith.shli %xor3A_238, %broadcast_in_dim3A_241 : vector<16xi32>
      %broadcast_in_dim3A_243 = arith.constant 17 : i32
      %broadcast_in_dim3A_244 = vector.broadcast %broadcast_in_dim3A_243 : i32 to vector<16xi32>
      %shift_right_logical3A_245 = arith.shrui %xor3A_238, %broadcast_in_dim3A_244 : vector<16xi32>
      %or3A_246 = arith.ori %shift_left3A_242, %shift_right_logical3A_245 : vector<16xi32>
      %xor3A_247 = arith.xori %or3A_246, %add3A_239 : vector<16xi32>
      %add3A_248 = arith.addi %add3A_239, %xor3A_247 : vector<16xi32>
      %broadcast_in_dim3A_249 = arith.constant 26 : i32
      %broadcast_in_dim3A_250 = vector.broadcast %broadcast_in_dim3A_249 : i32 to vector<16xi32>
      %shift_left3A_251 = arith.shli %xor3A_247, %broadcast_in_dim3A_250 : vector<16xi32>
      %broadcast_in_dim3A_252 = arith.constant 6 : i32
      %broadcast_in_dim3A_253 = vector.broadcast %broadcast_in_dim3A_252 : i32 to vector<16xi32>
      %shift_right_logical3A_254 = arith.shrui %xor3A_247, %broadcast_in_dim3A_253 : vector<16xi32>
      %or3A_255 = arith.ori %shift_left3A_251, %shift_right_logical3A_254 : vector<16xi32>
      %xor3A_256 = arith.xori %or3A_255, %add3A_248 : vector<16xi32>
      %add3A_257 = arith.addi %add3A_248, %xor3A_256 : vector<16xi32>
      %broadcast_in_dim3A_258 = arith.constant 6 : i32
      %broadcast_in_dim3A_259 = vector.broadcast %broadcast_in_dim3A_258 : i32 to vector<16xi32>
      %shift_left3A_260 = arith.shli %xor3A_256, %broadcast_in_dim3A_259 : vector<16xi32>
      %broadcast_in_dim3A_261 = arith.constant 26 : i32
      %broadcast_in_dim3A_262 = vector.broadcast %broadcast_in_dim3A_261 : i32 to vector<16xi32>
      %shift_right_logical3A_263 = arith.shrui %xor3A_256, %broadcast_in_dim3A_262 : vector<16xi32>
      %or3A_264 = arith.ori %shift_left3A_260, %shift_right_logical3A_263 : vector<16xi32>
      %xor3A_265 = arith.xori %or3A_264, %add3A_257 : vector<16xi32>
      %broadcast_in_dim3A_266 = arith.constant -1378843660 : i32
      %broadcast_in_dim3A_267 = vector.broadcast %broadcast_in_dim3A_266 : i32 to vector<16xi32>
      %add3A_268 = arith.addi %add3A_257, %broadcast_in_dim3A_267 : vector<16xi32>
      %broadcast_in_dim3A_269 = arith.constant -1244255484 : i32
      %broadcast_in_dim3A_270 = vector.broadcast %broadcast_in_dim3A_269 : i32 to vector<16xi32>
      %add3A_271 = arith.addi %xor3A_265, %broadcast_in_dim3A_270 : vector<16xi32>
      %add3A_272 = arith.addi %add3A_268, %add3A_271 : vector<16xi32>
      %broadcast_in_dim3A_273 = arith.constant 17 : i32
      %broadcast_in_dim3A_274 = vector.broadcast %broadcast_in_dim3A_273 : i32 to vector<16xi32>
      %shift_left3A_275 = arith.shli %add3A_271, %broadcast_in_dim3A_274 : vector<16xi32>
      %broadcast_in_dim3A_276 = arith.constant 15 : i32
      %broadcast_in_dim3A_277 = vector.broadcast %broadcast_in_dim3A_276 : i32 to vector<16xi32>
      %shift_right_logical3A_278 = arith.shrui %add3A_271, %broadcast_in_dim3A_277 : vector<16xi32>
      %or3A_279 = arith.ori %shift_left3A_275, %shift_right_logical3A_278 : vector<16xi32>
      %xor3A_280 = arith.xori %or3A_279, %add3A_272 : vector<16xi32>
      %add3A_281 = arith.addi %add3A_272, %xor3A_280 : vector<16xi32>
      %broadcast_in_dim3A_282 = arith.constant 29 : i32
      %broadcast_in_dim3A_283 = vector.broadcast %broadcast_in_dim3A_282 : i32 to vector<16xi32>
      %shift_left3A_284 = arith.shli %xor3A_280, %broadcast_in_dim3A_283 : vector<16xi32>
      %broadcast_in_dim3A_285 = arith.constant 3 : i32
      %broadcast_in_dim3A_286 = vector.broadcast %broadcast_in_dim3A_285 : i32 to vector<16xi32>
      %shift_right_logical3A_287 = arith.shrui %xor3A_280, %broadcast_in_dim3A_286 : vector<16xi32>
      %or3A_288 = arith.ori %shift_left3A_284, %shift_right_logical3A_287 : vector<16xi32>
      %xor3A_289 = arith.xori %or3A_288, %add3A_281 : vector<16xi32>
      %add3A_290 = arith.addi %add3A_281, %xor3A_289 : vector<16xi32>
      %broadcast_in_dim3A_291 = arith.constant 16 : i32
      %broadcast_in_dim3A_292 = vector.broadcast %broadcast_in_dim3A_291 : i32 to vector<16xi32>
      %shift_left3A_293 = arith.shli %xor3A_289, %broadcast_in_dim3A_292 : vector<16xi32>
      %broadcast_in_dim3A_294 = arith.constant 16 : i32
      %broadcast_in_dim3A_295 = vector.broadcast %broadcast_in_dim3A_294 : i32 to vector<16xi32>
      %shift_right_logical3A_296 = arith.shrui %xor3A_289, %broadcast_in_dim3A_295 : vector<16xi32>
      %or3A_297 = arith.ori %shift_left3A_293, %shift_right_logical3A_296 : vector<16xi32>
      %xor3A_298 = arith.xori %or3A_297, %add3A_290 : vector<16xi32>
      %add3A_299 = arith.addi %add3A_290, %xor3A_298 : vector<16xi32>
      %broadcast_in_dim3A_300 = arith.constant 24 : i32
      %broadcast_in_dim3A_301 = vector.broadcast %broadcast_in_dim3A_300 : i32 to vector<16xi32>
      %shift_left3A_302 = arith.shli %xor3A_298, %broadcast_in_dim3A_301 : vector<16xi32>
      %broadcast_in_dim3A_303 = arith.constant 8 : i32
      %broadcast_in_dim3A_304 = vector.broadcast %broadcast_in_dim3A_303 : i32 to vector<16xi32>
      %shift_right_logical3A_305 = arith.shrui %xor3A_298, %broadcast_in_dim3A_304 : vector<16xi32>
      %or3A_306 = arith.ori %shift_left3A_302, %shift_right_logical3A_305 : vector<16xi32>
      %xor3A_307 = arith.xori %or3A_306, %add3A_299 : vector<16xi32>
      %broadcast_in_dim3A_308 = arith.constant -1244255485 : i32
      %broadcast_in_dim3A_309 = vector.broadcast %broadcast_in_dim3A_308 : i32 to vector<16xi32>
      %add3A_310 = arith.addi %add3A_299, %broadcast_in_dim3A_309 : vector<16xi32>
      %broadcast_in_dim3A_311 = arith.constant 64467759 : i32
      %broadcast_in_dim3A_312 = vector.broadcast %broadcast_in_dim3A_311 : i32 to vector<16xi32>
      %add3A_313 = arith.addi %xor3A_307, %broadcast_in_dim3A_312 : vector<16xi32>
      %add3A_314 = arith.addi %add3A_310, %add3A_313 : vector<16xi32>
      %broadcast_in_dim3A_315 = arith.constant 13 : i32
      %broadcast_in_dim3A_316 = vector.broadcast %broadcast_in_dim3A_315 : i32 to vector<16xi32>
      %shift_left3A_317 = arith.shli %add3A_313, %broadcast_in_dim3A_316 : vector<16xi32>
      %broadcast_in_dim3A_318 = arith.constant 19 : i32
      %broadcast_in_dim3A_319 = vector.broadcast %broadcast_in_dim3A_318 : i32 to vector<16xi32>
      %shift_right_logical3A_320 = arith.shrui %add3A_313, %broadcast_in_dim3A_319 : vector<16xi32>
      %or3A_321 = arith.ori %shift_left3A_317, %shift_right_logical3A_320 : vector<16xi32>
      %xor3A_322 = arith.xori %or3A_321, %add3A_314 : vector<16xi32>
      %add3A_323 = arith.addi %add3A_314, %xor3A_322 : vector<16xi32>
      %broadcast_in_dim3A_324 = arith.constant 15 : i32
      %broadcast_in_dim3A_325 = vector.broadcast %broadcast_in_dim3A_324 : i32 to vector<16xi32>
      %shift_left3A_326 = arith.shli %xor3A_322, %broadcast_in_dim3A_325 : vector<16xi32>
      %broadcast_in_dim3A_327 = arith.constant 17 : i32
      %broadcast_in_dim3A_328 = vector.broadcast %broadcast_in_dim3A_327 : i32 to vector<16xi32>
      %shift_right_logical3A_329 = arith.shrui %xor3A_322, %broadcast_in_dim3A_328 : vector<16xi32>
      %or3A_330 = arith.ori %shift_left3A_326, %shift_right_logical3A_329 : vector<16xi32>
      %xor3A_331 = arith.xori %or3A_330, %add3A_323 : vector<16xi32>
      %add3A_332 = arith.addi %add3A_323, %xor3A_331 : vector<16xi32>
      %broadcast_in_dim3A_333 = arith.constant 26 : i32
      %broadcast_in_dim3A_334 = vector.broadcast %broadcast_in_dim3A_333 : i32 to vector<16xi32>
      %shift_left3A_335 = arith.shli %xor3A_331, %broadcast_in_dim3A_334 : vector<16xi32>
      %broadcast_in_dim3A_336 = arith.constant 6 : i32
      %broadcast_in_dim3A_337 = vector.broadcast %broadcast_in_dim3A_336 : i32 to vector<16xi32>
      %shift_right_logical3A_338 = arith.shrui %xor3A_331, %broadcast_in_dim3A_337 : vector<16xi32>
      %or3A_339 = arith.ori %shift_left3A_335, %shift_right_logical3A_338 : vector<16xi32>
      %xor3A_340 = arith.xori %or3A_339, %add3A_332 : vector<16xi32>
      %add3A_341 = arith.addi %add3A_332, %xor3A_340 : vector<16xi32>
      %broadcast_in_dim3A_342 = arith.constant 6 : i32
      %broadcast_in_dim3A_343 = vector.broadcast %broadcast_in_dim3A_342 : i32 to vector<16xi32>
      %shift_left3A_344 = arith.shli %xor3A_340, %broadcast_in_dim3A_343 : vector<16xi32>
      %broadcast_in_dim3A_345 = arith.constant 26 : i32
      %broadcast_in_dim3A_346 = vector.broadcast %broadcast_in_dim3A_345 : i32 to vector<16xi32>
      %shift_right_logical3A_347 = arith.shrui %xor3A_340, %broadcast_in_dim3A_346 : vector<16xi32>
      %or3A_348 = arith.ori %shift_left3A_344, %shift_right_logical3A_347 : vector<16xi32>
      %xor3A_349 = arith.xori %or3A_348, %add3A_341 : vector<16xi32>
      %broadcast_in_dim3A_350 = arith.constant 64467757 : i32
      %broadcast_in_dim3A_351 = vector.broadcast %broadcast_in_dim3A_350 : i32 to vector<16xi32>
      %add3A_352 = arith.addi %add3A_341, %broadcast_in_dim3A_351 : vector<16xi32>
      %broadcast_in_dim3A_353 = arith.constant -1378843657 : i32
      %broadcast_in_dim3A_354 = vector.broadcast %broadcast_in_dim3A_353 : i32 to vector<16xi32>
      %add3A_355 = arith.addi %xor3A_349, %broadcast_in_dim3A_354 : vector<16xi32>
      %add3A_356 = arith.addi %add3A_352, %add3A_355 : vector<16xi32>
      %broadcast_in_dim3A_357 = arith.constant 17 : i32
      %broadcast_in_dim3A_358 = vector.broadcast %broadcast_in_dim3A_357 : i32 to vector<16xi32>
      %shift_left3A_359 = arith.shli %add3A_355, %broadcast_in_dim3A_358 : vector<16xi32>
      %broadcast_in_dim3A_360 = arith.constant 15 : i32
      %broadcast_in_dim3A_361 = vector.broadcast %broadcast_in_dim3A_360 : i32 to vector<16xi32>
      %shift_right_logical3A_362 = arith.shrui %add3A_355, %broadcast_in_dim3A_361 : vector<16xi32>
      %or3A_363 = arith.ori %shift_left3A_359, %shift_right_logical3A_362 : vector<16xi32>
      %xor3A_364 = arith.xori %or3A_363, %add3A_356 : vector<16xi32>
      %add3A_365 = arith.addi %add3A_356, %xor3A_364 : vector<16xi32>
      %broadcast_in_dim3A_366 = arith.constant 29 : i32
      %broadcast_in_dim3A_367 = vector.broadcast %broadcast_in_dim3A_366 : i32 to vector<16xi32>
      %shift_left3A_368 = arith.shli %xor3A_364, %broadcast_in_dim3A_367 : vector<16xi32>
      %broadcast_in_dim3A_369 = arith.constant 3 : i32
      %broadcast_in_dim3A_370 = vector.broadcast %broadcast_in_dim3A_369 : i32 to vector<16xi32>
      %shift_right_logical3A_371 = arith.shrui %xor3A_364, %broadcast_in_dim3A_370 : vector<16xi32>
      %or3A_372 = arith.ori %shift_left3A_368, %shift_right_logical3A_371 : vector<16xi32>
      %xor3A_373 = arith.xori %or3A_372, %add3A_365 : vector<16xi32>
      %add3A_374 = arith.addi %add3A_365, %xor3A_373 : vector<16xi32>
      %broadcast_in_dim3A_375 = arith.constant 16 : i32
      %broadcast_in_dim3A_376 = vector.broadcast %broadcast_in_dim3A_375 : i32 to vector<16xi32>
      %shift_left3A_377 = arith.shli %xor3A_373, %broadcast_in_dim3A_376 : vector<16xi32>
      %broadcast_in_dim3A_378 = arith.constant 16 : i32
      %broadcast_in_dim3A_379 = vector.broadcast %broadcast_in_dim3A_378 : i32 to vector<16xi32>
      %shift_right_logical3A_380 = arith.shrui %xor3A_373, %broadcast_in_dim3A_379 : vector<16xi32>
      %or3A_381 = arith.ori %shift_left3A_377, %shift_right_logical3A_380 : vector<16xi32>
      %xor3A_382 = arith.xori %or3A_381, %add3A_374 : vector<16xi32>
      %add3A_383 = arith.addi %add3A_374, %xor3A_382 : vector<16xi32>
      %broadcast_in_dim3A_384 = arith.constant 24 : i32
      %broadcast_in_dim3A_385 = vector.broadcast %broadcast_in_dim3A_384 : i32 to vector<16xi32>
      %shift_left3A_386 = arith.shli %xor3A_382, %broadcast_in_dim3A_385 : vector<16xi32>
      %broadcast_in_dim3A_387 = arith.constant 8 : i32
      %broadcast_in_dim3A_388 = vector.broadcast %broadcast_in_dim3A_387 : i32 to vector<16xi32>
      %shift_right_logical3A_389 = arith.shrui %xor3A_382, %broadcast_in_dim3A_388 : vector<16xi32>
      %or3A_390 = arith.ori %shift_left3A_386, %shift_right_logical3A_389 : vector<16xi32>
      %xor3A_391 = arith.xori %or3A_390, %add3A_383 : vector<16xi32>
      %broadcast_in_dim3A_392 = arith.constant -1378843660 : i32
      %broadcast_in_dim3A_393 = vector.broadcast %broadcast_in_dim3A_392 : i32 to vector<16xi32>
      %add3A_394 = arith.addi %add3A_383, %broadcast_in_dim3A_393 : vector<16xi32>
      %broadcast_in_dim3A_395 = arith.constant -1244255481 : i32
      %broadcast_in_dim3A_396 = vector.broadcast %broadcast_in_dim3A_395 : i32 to vector<16xi32>
      %add3A_397 = arith.addi %xor3A_391, %broadcast_in_dim3A_396 : vector<16xi32>
      %add3A_398 = arith.addi %add3A_394, %add3A_397 : vector<16xi32>
      %broadcast_in_dim3A_399 = arith.constant 13 : i32
      %broadcast_in_dim3A_400 = vector.broadcast %broadcast_in_dim3A_399 : i32 to vector<16xi32>
      %shift_left3A_401 = arith.shli %add3A_397, %broadcast_in_dim3A_400 : vector<16xi32>
      %broadcast_in_dim3A_402 = arith.constant 19 : i32
      %broadcast_in_dim3A_403 = vector.broadcast %broadcast_in_dim3A_402 : i32 to vector<16xi32>
      %shift_right_logical3A_404 = arith.shrui %add3A_397, %broadcast_in_dim3A_403 : vector<16xi32>
      %or3A_405 = arith.ori %shift_left3A_401, %shift_right_logical3A_404 : vector<16xi32>
      %xor3A_406 = arith.xori %or3A_405, %add3A_398 : vector<16xi32>
      %add3A_407 = arith.addi %add3A_398, %xor3A_406 : vector<16xi32>
      %broadcast_in_dim3A_408 = arith.constant 15 : i32
      %broadcast_in_dim3A_409 = vector.broadcast %broadcast_in_dim3A_408 : i32 to vector<16xi32>
      %shift_left3A_410 = arith.shli %xor3A_406, %broadcast_in_dim3A_409 : vector<16xi32>
      %broadcast_in_dim3A_411 = arith.constant 17 : i32
      %broadcast_in_dim3A_412 = vector.broadcast %broadcast_in_dim3A_411 : i32 to vector<16xi32>
      %shift_right_logical3A_413 = arith.shrui %xor3A_406, %broadcast_in_dim3A_412 : vector<16xi32>
      %or3A_414 = arith.ori %shift_left3A_410, %shift_right_logical3A_413 : vector<16xi32>
      %xor3A_415 = arith.xori %or3A_414, %add3A_407 : vector<16xi32>
      %add3A_416 = arith.addi %add3A_407, %xor3A_415 : vector<16xi32>
      %broadcast_in_dim3A_417 = arith.constant 26 : i32
      %broadcast_in_dim3A_418 = vector.broadcast %broadcast_in_dim3A_417 : i32 to vector<16xi32>
      %shift_left3A_419 = arith.shli %xor3A_415, %broadcast_in_dim3A_418 : vector<16xi32>
      %broadcast_in_dim3A_420 = arith.constant 6 : i32
      %broadcast_in_dim3A_421 = vector.broadcast %broadcast_in_dim3A_420 : i32 to vector<16xi32>
      %shift_right_logical3A_422 = arith.shrui %xor3A_415, %broadcast_in_dim3A_421 : vector<16xi32>
      %or3A_423 = arith.ori %shift_left3A_419, %shift_right_logical3A_422 : vector<16xi32>
      %xor3A_424 = arith.xori %or3A_423, %add3A_416 : vector<16xi32>
      %add3A_425 = arith.addi %add3A_416, %xor3A_424 : vector<16xi32>
      %broadcast_in_dim3A_426 = arith.constant 6 : i32
      %broadcast_in_dim3A_427 = vector.broadcast %broadcast_in_dim3A_426 : i32 to vector<16xi32>
      %shift_left3A_428 = arith.shli %xor3A_424, %broadcast_in_dim3A_427 : vector<16xi32>
      %broadcast_in_dim3A_429 = arith.constant 26 : i32
      %broadcast_in_dim3A_430 = vector.broadcast %broadcast_in_dim3A_429 : i32 to vector<16xi32>
      %shift_right_logical3A_431 = arith.shrui %xor3A_424, %broadcast_in_dim3A_430 : vector<16xi32>
      %or3A_432 = arith.ori %shift_left3A_428, %shift_right_logical3A_431 : vector<16xi32>
      %xor3A_433 = arith.xori %or3A_432, %add3A_425 : vector<16xi32>
      %broadcast_in_dim3A_434 = arith.constant -1244255485 : i32
      %broadcast_in_dim3A_435 = vector.broadcast %broadcast_in_dim3A_434 : i32 to vector<16xi32>
      %add3A_436 = arith.addi %add3A_425, %broadcast_in_dim3A_435 : vector<16xi32>
      %broadcast_in_dim3A_437 = arith.constant 64467762 : i32
      %broadcast_in_dim3A_438 = vector.broadcast %broadcast_in_dim3A_437 : i32 to vector<16xi32>
      %add3A_439 = arith.addi %xor3A_433, %broadcast_in_dim3A_438 : vector<16xi32>
      %xor3A_440 = arith.xori %add3A_436, %add3A_439 : vector<16xi32>
      %broadcast_in_dim3A_441 = arith.constant 16 : i32
      %broadcast_in_dim3A_442 = vector.broadcast %broadcast_in_dim3A_441 : i32 to vector<16xi32>
      %shift_right_logical3A_443 = arith.shrui %xor3A_224, %broadcast_in_dim3A_442 : vector<16xi32>
      %broadcast_in_dim3A_444 = arith.constant 97 : i32
      %broadcast_in_dim3A_445 = vector.broadcast %broadcast_in_dim3A_444 : i32 to vector<16xi32>
      %mul3A_446 = arith.muli %shift_right_logical3A_443, %broadcast_in_dim3A_445 : vector<16xi32>
      %broadcast_in_dim3A_447 = arith.constant 65535 : i32
      %broadcast_in_dim3A_448 = vector.broadcast %broadcast_in_dim3A_447 : i32 to vector<16xi32>
      %and3A = arith.andi %xor3A_224, %broadcast_in_dim3A_448 : vector<16xi32>
      %add3A_449 = arith.addi %mul3A_446, %and3A : vector<16xi32>
      %broadcast_in_dim3A_450 = arith.constant 16 : i32
      %broadcast_in_dim3A_451 = vector.broadcast %broadcast_in_dim3A_450 : i32 to vector<16xi32>
      %shift_right_logical3A_452 = arith.shrui %add3A_449, %broadcast_in_dim3A_451 : vector<16xi32>
      %broadcast_in_dim3A_453 = arith.constant 97 : i32
      %broadcast_in_dim3A_454 = vector.broadcast %broadcast_in_dim3A_453 : i32 to vector<16xi32>
      %mul3A_455 = arith.muli %shift_right_logical3A_452, %broadcast_in_dim3A_454 : vector<16xi32>
      %broadcast_in_dim3A_456 = arith.constant 65535 : i32
      %broadcast_in_dim3A_457 = vector.broadcast %broadcast_in_dim3A_456 : i32 to vector<16xi32>
      %and3A_458 = arith.andi %add3A_449, %broadcast_in_dim3A_457 : vector<16xi32>
      %add3A_459 = arith.addi %mul3A_455, %and3A_458 : vector<16xi32>
      %broadcast_in_dim3A_460 = arith.constant 42367 : i32
      %broadcast_in_dim3A_461 = vector.broadcast %broadcast_in_dim3A_460 : i32 to vector<16xi32>
      %mul3A_462 = arith.muli %add3A_459, %broadcast_in_dim3A_461 : vector<16xi32>
      %broadcast_in_dim3A_463 = arith.constant 22 : i32
      %broadcast_in_dim3A_464 = vector.broadcast %broadcast_in_dim3A_463 : i32 to vector<16xi32>
      %shift_right_logical3A_465 = arith.shrui %mul3A_462, %broadcast_in_dim3A_464 : vector<16xi32>
      %broadcast_in_dim3A_466 = arith.constant 99 : i32
      %broadcast_in_dim3A_467 = vector.broadcast %broadcast_in_dim3A_466 : i32 to vector<16xi32>
      %mul3A_468 = arith.muli %shift_right_logical3A_465, %broadcast_in_dim3A_467 : vector<16xi32>
      %sub3A = arith.subi %add3A_459, %mul3A_468 : vector<16xi32>
      %broadcast_in_dim3A_469 = arith.constant 4 : i32
      %broadcast_in_dim3A_470 = vector.broadcast %broadcast_in_dim3A_469 : i32 to vector<16xi32>
      %mul3A_471 = arith.muli %sub3A, %broadcast_in_dim3A_470 : vector<16xi32>
      %broadcast_in_dim3A_472 = arith.constant 16 : i32
      %broadcast_in_dim3A_473 = vector.broadcast %broadcast_in_dim3A_472 : i32 to vector<16xi32>
      %shift_right_logical3A_474 = arith.shrui %xor3A_440, %broadcast_in_dim3A_473 : vector<16xi32>
      %broadcast_in_dim3A_475 = arith.constant 97 : i32
      %broadcast_in_dim3A_476 = vector.broadcast %broadcast_in_dim3A_475 : i32 to vector<16xi32>
      %mul3A_477 = arith.muli %shift_right_logical3A_474, %broadcast_in_dim3A_476 : vector<16xi32>
      %broadcast_in_dim3A_478 = arith.constant 65535 : i32
      %broadcast_in_dim3A_479 = vector.broadcast %broadcast_in_dim3A_478 : i32 to vector<16xi32>
      %and3A_480 = arith.andi %xor3A_440, %broadcast_in_dim3A_479 : vector<16xi32>
      %add3A_481 = arith.addi %mul3A_477, %and3A_480 : vector<16xi32>
      %broadcast_in_dim3A_482 = arith.constant 16 : i32
      %broadcast_in_dim3A_483 = vector.broadcast %broadcast_in_dim3A_482 : i32 to vector<16xi32>
      %shift_right_logical3A_484 = arith.shrui %add3A_481, %broadcast_in_dim3A_483 : vector<16xi32>
      %broadcast_in_dim3A_485 = arith.constant 97 : i32
      %broadcast_in_dim3A_486 = vector.broadcast %broadcast_in_dim3A_485 : i32 to vector<16xi32>
      %mul3A_487 = arith.muli %shift_right_logical3A_484, %broadcast_in_dim3A_486 : vector<16xi32>
      %broadcast_in_dim3A_488 = arith.constant 65535 : i32
      %broadcast_in_dim3A_489 = vector.broadcast %broadcast_in_dim3A_488 : i32 to vector<16xi32>
      %and3A_490 = arith.andi %add3A_481, %broadcast_in_dim3A_489 : vector<16xi32>
      %add3A_491 = arith.addi %mul3A_487, %and3A_490 : vector<16xi32>
      %broadcast_in_dim3A_492 = arith.constant 42367 : i32
      %broadcast_in_dim3A_493 = vector.broadcast %broadcast_in_dim3A_492 : i32 to vector<16xi32>
      %mul3A_494 = arith.muli %add3A_491, %broadcast_in_dim3A_493 : vector<16xi32>
      %broadcast_in_dim3A_495 = arith.constant 22 : i32
      %broadcast_in_dim3A_496 = vector.broadcast %broadcast_in_dim3A_495 : i32 to vector<16xi32>
      %shift_right_logical3A_497 = arith.shrui %mul3A_494, %broadcast_in_dim3A_496 : vector<16xi32>
      %broadcast_in_dim3A_498 = arith.constant 99 : i32
      %broadcast_in_dim3A_499 = vector.broadcast %broadcast_in_dim3A_498 : i32 to vector<16xi32>
      %mul3A_500 = arith.muli %shift_right_logical3A_497, %broadcast_in_dim3A_499 : vector<16xi32>
      %sub3A_501 = arith.subi %add3A_491, %mul3A_500 : vector<16xi32>
      %add3A_502 = arith.addi %mul3A_471, %sub3A_501 : vector<16xi32>
      %broadcast_in_dim3A_503 = arith.constant 1325 : i32
      %broadcast_in_dim3A_504 = vector.broadcast %broadcast_in_dim3A_503 : i32 to vector<16xi32>
      %mul3A_505 = arith.muli %add3A_502, %broadcast_in_dim3A_504 : vector<16xi32>
      %broadcast_in_dim3A_506 = arith.constant 17 : i32
      %broadcast_in_dim3A_507 = vector.broadcast %broadcast_in_dim3A_506 : i32 to vector<16xi32>
      %shift_right_logical3A_508 = arith.shrui %mul3A_505, %broadcast_in_dim3A_507 : vector<16xi32>
      %broadcast_in_dim3A_509 = arith.constant 99 : i32
      %broadcast_in_dim3A_510 = vector.broadcast %broadcast_in_dim3A_509 : i32 to vector<16xi32>
      %mul3A_511 = arith.muli %shift_right_logical3A_508, %broadcast_in_dim3A_510 : vector<16xi32>
      %sub3A_512 = arith.subi %add3A_502, %mul3A_511 : vector<16xi32>
      %mul3A_513 = arith.constant 16 : i32
      %mul3A_514 = arith.muli %scan3A_8, %mul3A_513 : i32
      %get3A = arith.index_cast %mul3A_514 : i32 to index
      %get3A_515 = tpu.vector_load %arg4[%get3A] {strides = array<i32>} : memref<6400xi32, #tpu.memory_space<vmem>>, vector<16xi32>,
      %get3A_516 = vector.shape_cast %get3A_515 : vector<16xi32> to vector<16xi32>
      %ge3A = arith.cmpi sge, %sub3A_512, %get3A_516 : vector<16xi32>
      %broadcast_in_dim3A_517 = arith.constant 1 : i32
      %broadcast_in_dim3A_518 = vector.broadcast %broadcast_in_dim3A_517 : i32 to vector<16xi32>
      %broadcast_in_dim3A_519 = arith.constant 0 : i32
      %broadcast_in_dim3A_520 = vector.broadcast %broadcast_in_dim3A_519 : i32 to vector<16xi32>
      %select_n3A = arith.select %ge3A, %broadcast_in_dim3A_518, %broadcast_in_dim3A_520 : vector<16xi1>, vector<16xi32>
      %add3A_521 = arith.addi %sub3A_512, %select_n3A : vector<16xi32>
      %mul3A_522 = arith.constant 16 : i32
      %mul3A_523 = arith.muli %scan3A_8, %mul3A_522 : i32
      %swap3A = arith.index_cast %mul3A_523 : i32 to index
      %swap3A_524 = tpu.vector_load %arg5[%swap3A] {strides = array<i32>} : memref<6400xi32, #tpu.memory_space<vmem>>, vector<16xi32>,
      %swap3A_525 = vector.shape_cast %swap3A_524 : vector<16xi32> to vector<16xi32>
      %swap3A_526 = vector.shape_cast %add3A_521 : vector<16xi32> to vector<16xi32>
      tpu.vector_store %arg5[%swap3A], %swap3A_526 {strides = array<i32>} : memref<6400xi32, #tpu.memory_space<vmem>>, vector<16xi32>,
    }
    %scan3A_7 = arith.constant 400 : i32
    "tpu.region"() ({
      %run_scoped3A = tpu.sem_alloc : memref<!tpu.dma_semaphore, #tpu.memory_space<semaphore_mem>>
      %dma_start3A = tpu.memref_slice %arg3[%mul3A_2] : memref<204800xi32, #tpu.memory_space<hbm>> -> memref<6400xi32, #tpu.memory_space<hbm>>
      %dma_start3A_8 = tpu.memref_slice %arg3[%mul3A_2] : memref<204800xi32, #tpu.memory_space<hbm>> -> memref<6400xi32, #tpu.memory_space<hbm>>
      tpu.enqueue_dma source(%arg5 : memref<6400xi32, #tpu.memory_space<vmem>>) target(%dma_start3A_8 : memref<6400xi32, #tpu.memory_space<hbm>>) target_semaphore(%run_scoped3A : memref<!tpu.dma_semaphore, #tpu.memory_space<semaphore_mem>>)
      %dma_wait3A = tpu.memref_slice %arg3[%mul3A_2] : memref<204800xi32, #tpu.memory_space<hbm>> -> memref<6400xi32, #tpu.memory_space<hbm>>
      %dma_wait3A_9 = tpu.memref_slice %arg3[%mul3A_2] : memref<204800xi32, #tpu.memory_space<hbm>> -> memref<6400xi32, #tpu.memory_space<hbm>>
      tpu.wait_dma2 semaphore(%run_scoped3A : memref<!tpu.dma_semaphore, #tpu.memory_space<semaphore_mem>>) src(%arg5 : memref<6400xi32, #tpu.memory_space<vmem>>) dst(%dma_wait3A_9 : memref<6400xi32, #tpu.memory_space<hbm>>)
      tpu.yield
    }) : () -> ()
    return
  }
}

</mosaic_0001>

<sc_bundles>
// kernel: kernel.3.cloned.1.call-start
scs
__scs_entry_jumppad:
0x0: {  	(pc) =	sbr.rel $0x88, $3  }
0x1: {  	(tag) =	ssettag $0x0;
	lr =	simm.s32 $0x1  }
0x2: {  	[smem:$0x3FA0] =	sst lr;
	_ =	strace $0xD0000000  }
0x3: {  	_ = 	snop  }
0x4: {  	_ = 	snop  }
0x5: {  	_ = 	snop  }
0x6: {  	_ = 	snop  }
0x7: {  	_ = 	snop  }
__scs_overlays_trampoline_lowered:
0x8: {  	[smem:$0x3FAF] =	sst s0  }
0x9: {  	[smem:$0x3FB0] =	sst s1  }
0xa: {  	[smem:$0x3FB1] =	sst s2  }
0xb: {  	[smem:$0x3FB2] =	sst s3  }
0xc: {  	[smem:$0x3FB3] =	sst s4  }
0xd: {  	[smem:$0x3FB4] =	sst s5  }
0xe: {  	[smem:$0x3FB5] =	sst s6  }
0xf: {  	[smem:$0x3FB6] =	sst s7  }
0x10: {  	[smem:$0x3FB7] =	sst s8  }
0x11: {  	[smem:$0x3FB8] =	sst s9;
	s0 =	simm.s32 @!p0 $0x0  }
0x12: {  	s1 =	sld [smem:$0x3F9E];
	s0 =	simm.s32 @p0 $0x1  }
0x13: {  	[smem:$0x3FB9] =	sst s0;
	s0 =	simm.s32 @!p1 $0x0  }
0x14: {  	s2 =	sld [smem:$0x3F9D];
	s0 =	simm.s32 @p1 $0x1  }
0x15: {  	[smem:$0x3FBA] =	sst s0;
	s0 =	simm.s32 @!p2 $0x0  }
0x16: {  	s3 =	sld [smem:$0x3FDB];
	s0 =	simm.s32 @p2 $0x1  }
0x17: {  	s4 =	simm.s32 $0x1BF5;
	[smem:$0x3FBC] =	sst s0  }
0x18: {  	s0 =	sld [smem:$0x3F9F];
	_ =	swait.ge [sflag:s4], $0x0  }
0x19: {  	s7 =	sld [smem:$0x3FA0]  }
0x1a: {  	s8 =	sadd.s32 $0xFFFFE003, lr  }
0x1b: {  	s9 =	sadd.s32 $0xFFFFFEF7, lr;
	s5 =	simm.s32 $0xFFFFFFFF;
	p2 =	slt.u32 s8, $0xFFFFF086  }
0x1c: {  	p1 =	slt.u32 s9, $0xF7A;
	s5 =	simm.s32 @!p2 $0x0  }
0x1d: {  	s5 =	simm.s32 @p1 $0x1;
	p0 =	seq.s32 s7, s2  }
0x1e: {  	s7 =	smul.u32 @!p0 $0xF7A, s2;
	p2 =	seq.s32 @!p0 s5, $0x0  }
0x1f: {  	s9 =	smul.u32 $0xF7A, s1;
	s8 =	simm.s32 @!p0 $0x1BF5;
	p2 =	por !p2, p0  }
0x20: {  	[sflag:s8] =	ssyncset.s32 @!p0 $0xFFFFF086;
	s6 =	sadd.s32 @!p0 s3, s7;
	s7 =	simm.s32 @!p0 $0x108  }
0x21: {  	s3 =	sadd.s32 s3, s9;
	s6 =	sadd.s32 @!p0 $0x88, s6;
	s7 =	simm.s32 @p2 $0x1082  }
0x22: {  	[simem:s7], [sflag:s8] =	dma.local @!p0 [hbm:s6], $0xF7A  }
0x23: {  	s9 =	sor.u32 $0xD0000000, s2;
	s6 =	simm.s32 $0x108;
	_ =	swait.ge @!p0 [sflag:s8], $0x0  }
0x24: {  	s3 =	sadd.s32 $0x88, s3;
	s6 =	simm.s32 @!p1 $0x1082;
	[sflag:s4] =	ssyncset.s32 $0xFFFFF086  }
0x25: {  	[simem:s6], [sflag:s4] =	dma.local [hbm:s3], $0xF7A  }
0x26: {  	[smem:$0x3FA0] =	sst s1;
	(tag) =	ssettag s2;
	_ =	strace s9  }
0x27: {  	s1 =	sld [smem:$0x3FB0]  }
0x28: {  	s2 =	sld [smem:$0x3FB1]  }
0x29: {  	s4 =	sld [smem:$0x3FB3]  }
0x2a: {  	p0 =	seq.s32 s5, $0x0;
	s5 =	sld [smem:$0x3FB4]  }
0x2b: {  	s6 =	sld [smem:$0x3FB5]  }
0x2c: {  	s7 =	sld [smem:$0x3FB6]  }
0x2d: {  	s3 =	simm.s32 $0x108;
	s8 =	sld [smem:$0x3FB7]  }
0x2e: {  	s3 =	simm.s32 @!p0 $0x1082;
	s9 =	sld [smem:$0x3FB8]  }
0x2f: {  	lr =	sadd.s32 s0, s3;
	s0 =	sld [smem:$0x3FAF]  }
0x30: {  	s3 =	sld [smem:$0x3FB2]  }
0x31: {  	[smem:$0x3FBB] =	sst s10  }
0x32: {  	s10 =	sld [smem:$0x3FB9];
	_ =	sdelay $0x3  }
0x33: {  	p0 =	seq.s32 s10, $0x1;
	s10 =	sld [smem:$0x3FBB];
	_ =	sdelay $0x3  }
0x34: {  	[smem:$0x3FBB] =	sst s10  }
0x35: {  	s10 =	sld [smem:$0x3FBA];
	_ =	sdelay $0x3  }
0x36: {  	p1 =	seq.s32 s10, $0x1;
	s10 =	sld [smem:$0x3FBB];
	_ =	sdelay $0x3  }
0x37: {  	[smem:$0x3FBB] =	sst s10  }
0x38: {  	s10 =	sld [smem:$0x3FBC]  }
0x39: {  	_ = 	snop;
	(pc) =	sbr.ind lr, $3  }
0x3a: {  	_ = 	snop  }
0x3b: {  	_ = 	snop  }
0x3c: {  	p2 =	seq.s32 s10, $0x1;
	s10 =	sld [smem:$0x3FBB]  }
0x3d: {  	_ =	shalt  }
0x3e: {  	_ =	shalt  }
0x3f: {  	_ =	shalt  }
0x40: {  	_ =	shalt  }
0x41: {  	_ =	shalt  }
0x42: {  	_ =	shalt  }
0x43: {  	_ =	shalt  }
0x44: {  	_ =	shalt  }
0x45: {  	_ =	shalt  }
0x46: {  	_ =	shalt  }
0x47: {  	_ =	shalt  }
0x48: {  	_ =	shalt  }
0x49: {  	_ =	shalt  }
0x4a: {  	_ =	shalt  }
0x4b: {  	_ =	shalt  }
0x4c: {  	_ =	shalt  }
0x4d: {  	_ =	shalt  }
0x4e: {  	_ =	shalt  }
0x4f: {  	_ =	shalt  }
0x50: {  	_ =	shalt  }
0x51: {  	_ =	shalt  }
0x52: {  	_ =	shalt  }
0x53: {  	_ =	shalt  }
0x54: {  	_ =	shalt  }
0x55: {  	_ =	shalt  }
0x56: {  	_ =	shalt  }
0x57: {  	_ =	shalt  }
0x58: {  	_ =	shalt  }
0x59: {  	_ =	shalt  }
0x5a: {  	_ =	shalt  }
0x5b: {  	_ =	shalt  }
0x5c: {  	_ =	shalt  }
0x5d: {  	_ =	shalt  }
0x5e: {  	_ =	shalt  }
0x5f: {  	_ =	shalt  }
0x60: {  	_ =	shalt  }
0x61: {  	_ =	shalt  }
0x62: {  	_ =	shalt  }
0x63: {  	_ =	shalt  }
0x64: {  	_ =	shalt  }
0x65: {  	_ =	shalt  }
0x66: {  	_ =	shalt  }
0x67: {  	_ =	shalt  }
0x68: {  	_ =	shalt  }
0x69: {  	_ =	shalt  }
0x6a: {  	_ =	shalt  }
0x6b: {  	_ =	shalt  }
0x6c: {  	_ =	shalt  }
0x6d: {  	_ =	shalt  }
0x6e: {  	_ =	shalt  }
0x6f: {  	_ =	shalt  }
0x70: {  	_ =	shalt  }
0x71: {  	_ =	shalt  }
0x72: {  	_ =	shalt  }
0x73: {  	_ =	shalt  }
0x74: {  	_ =	shalt  }
0x75: {  	_ =	shalt  }
0x76: {  	_ =	shalt  }
0x77: {  	_ =	shalt  }
0x78: {  	_ =	shalt  }
0x79: {  	_ =	shalt  }
0x7a: {  	_ =	shalt  }
0x7b: {  	_ =	shalt  }
0x7c: {  	_ =	shalt  }
0x7d: {  	_ =	shalt  }
0x7e: {  	_ =	shalt  }
0x7f: {  	_ =	shalt  }
0x80: {  	_ =	shalt  }
0x81: {  	_ =	shalt  }
0x82: {  	_ =	shalt  }
0x83: {  	_ =	shalt  }
0x84: {  	_ =	shalt  }
0x85: {  	_ =	shalt  }
0x86: {  	_ =	shalt  }
0x87: {  	_ =	shalt  }
.Lfunc_end0:
.L_simem_size_0:
called_computation_lowered:
.L_overlay_start_0:
0x88: {  	s2 =	sld [smem:$0x3FD9]  }
0x89: {  	s3 =	sld [smem:$0x3FFE];
	_ =	sdelay $0x1  }
0x8a: {  	s1 =	srdreg.scid  }
0x8b: {  	s0 =	sand.u32 $0x1, s1  }
0x8c: {  	s17 =	sshll.u32 s0, $0xA;
	s2 =	sadd.s32 s3, s2  }
0x8d: {  	s2 =	sadd.s32 s2, s17  }
0x8e: {  	[smem:$0x3FC7] =	sst s2  }
0x8f: {  	_ = 	snop  }
0x90: {  	s2 =	sld [smem:$0x3FD0];
	(tm) =	ssettm $0x1  }
0x91: {  	s18 =	sld [smem:$0x3FFB];
	_ =	sdelay $0x3  }
0x92: {  	_ =	strace s18  }
0x93: {  	s3 =	sld [smem:$0x3FFC];
	_ =	sdelay $0x3  }
0x94: {  	_ =	strace s3  }
0x95: {  	s3 =	sld [smem:$0x3FFD];
	_ =	sdelay $0x3  }
0x96: {  	_ =	strace s3  }
0x97: {  	_ =	strace $0x8FFFFFFF  }
0x98: {  	s19 =	sld [smem:$0x3FDB];
	_ =	sdelay $0x1  }
0x99: {  	s4 =	simm.s32 $_scs_section_size  }
0x9a: {  	s5 =	simm.s32 $_size__tile_overlayer_lowered;
	s6 =	simm.s32 $_tile_overlayer_lowered  }
0x9b: {  	s22 =	simm.s32 $0x1BFF;
	s21 =	sshll.u32 s6, $0x1;
	s3 =	sadd.s32 s4, s19  }
0x9c: {  	s7 =	simm.s32 $0x0;
	s20 =	sshll.u32 s5, $0x1;
	s5 =	sadd.s32 s21, s3  }
0x9d: {  	[timem:s7], [sflag:s22] =	dma.local [hbm:s5], s20  }
0x9e: {  	_ =	swait.ge [sflag:s22], s20  }
0x9f: {  	s4 =	ssub.s32 $0x0, s20;
	[sflag:s22] =	ssyncset.done $0x0  }
0xa0: {  	[sflag:s22] =	ssyncadd.s32 s4;
	_ =	sdelay $0x1  }
0xa1: {  	s23 =	simm.s32 $0x1B8B  }
0xa2: {  	_ =	swait.ge [sflag:s23], $0x1  }
0xa3: {  	[sflag:s23] =	ssyncset.done $0x0  }
0xa4: {  	s25 =	simm.s32 $0x1B8E;
	s24 =	sld [smem:$0x3FFE];
	[sflag:s23] =	ssyncadd.s32 $0xFFFFFFFF  }
0xa5: {  	s26 =	simm.s32 $execute0_lowered;
	[smem:$0x3FD2] =	sst s25  }
0xa6: {  	s5 =	sshll.u32 s26, $0x1;
	_ =	strace $0x80000046;
	[dreg:$0x1] =	wrdreg $0xFFFFFFFF  }
0xa7: {  	s28 =	simm.s32 $_size_execute0_lowered;
	s3 =	sadd.s32 s3, s5;
	[dreg:$0x0] =	wrdreg $0x0  }
0xa8: {  	s5 =	sshll.u32 s28, $0x1;
	[dreg:$0x2] =	wrdreg s3  }
0xa9: {  	[dreg:$0x3] =	wrdreg s5  }
0xaa: {  	[dreg:$0x4] =	wrdreg $0xC0  }
0xab: {  	_ =	task [dreg:s7], $0x5FFFF  }
0xac: {  	[dreg:$0x1] =	wrdreg $0xFFFFFFFF  }
0xad: {  	[dreg:$0x0] =	wrdreg $0x60  }
0xae: {  	[dreg:$0x2] =	wrdreg s2  }
0xaf: {  	[dreg:$0x3] =	wrdreg s24  }
0xb0: {  	[dreg:$0x4] =	wrdreg $0x9  }
0xb1: {  	_ =	task.clear_ibuf [dreg:s7], $0x5FFFF;
	_ =	strace $0x90000046  }
0xb2: {  	s29 =	simm.s32 $0x9;
	_ =	strace $0x80000048  }
0xb3: {  	_ =	swait.ge [sflag:s29], $0x1  }
0xb4: {  	[sflag:s29] =	ssyncadd.s32 $0xFFFFFFFF  }
0xb5: {  	_ =	strace $0x90000048  }
0xb6: {  	_ =	sfence  }
0xb7: {  	s30 =	sld [smem:$0x0];
	_ =	sdelay $0x2  }
0xb8: {  	s31 =	sshll.u32 s1, $0xD;
	s1 =	sshrl.u32 s1, $0x2  }
0xb9: {  	s3 =	sand.u32 $0x4000, s31;
	s1 =	sadd.s32 s1, s30  }
0xba: {  	s0 =	sor.u32 s3, s0;
	s1 =	sshll.u32 s1, $0x11  }
0xbb: {  	s0 =	sor.u32 s1, s0  }
0xbc: {  	s0 =	sadd.s32 $0x8F2B, s0  }
0xbd: {  	[sflag:s0] =	ssyncadd.remote.s32 $0x1  }
0xbe: {  	_ =	sfence.sel $0xFFFF  }
0xbf: {  	[dreg:$0x0] =	wrdreg $0xFFFFFFFF;
	(pc) =	sbr.abs _section_cstart, $3  }
0xc0: {  	[dreg:$0x1] =	wrdreg $0xFFFFFFFF  }
0xc1: {  	_ =	task.clear_ibuf [dreg:s7], $0x2FFFF;
	_ =	strace $0x9FFFFFFF  }
0xc2: {  	(tm) =	ssettm $0x7FFFFFFF  }
0xc3: {  	_ =	shalt  }
tec
execute0_lowered:
.L_overlay_start_1:
0x0: {  	(tag) =	ssettag $0x1  }
0x1: {  	s3 =	rddreg [dreg:$0x0];
	s1 =	srdreg.scid  }
0x2: {  	s0 =	stileid.u32;
	s4 =	rddreg [dreg:$0x1];
	s2 =	simm.s32 $0x0  }
0x3: {  	s5 =	sand.u32 $0x1, s1;
	s6 =	sshll.u32 s0, $0x1;
	s1 =	rddreg [dreg:$0x2]  }
0x4: {  	s8 =	smul.u32 $0x3200, s0;
	s6 =	sor.u32 s5, s6;
	s7 =	ssub.s32 $0x2, s5  }
0x5: {  	[smem:$0x7FF] =	sst s2;
	s6 =	smul.u32 $0x1900, s6;
	s9 =	sshrl.u32 s7, $0x1  }
0x6: {  	_ =	strace $0x80000047;
	s10 =	smul.u32 $0x1900, s5;
	s31 =	ssub.s32 s7, s9  }
0x7: {  	v3 =	vlaneseq.u32;
	s7 =	simm.s32 $0x1;
	s9 =	simm.s32 $0x0;
	s6 =	sshrl.u32 s6, $0x3  }
0x8: {  	v0 =	vadd.s32 $0x1022172D, v3;
	v1 =	vadd.s32 $0x7D601BBC, v3;
	s5 =	smax.u32 s31, $0x1;
	s4 =	sadd.s32 s6, s4;
	s3 =	sadd.s32 s3, s6  }
0x9: {  	v4 =	vimm.s32 $0x0;
	v2 =	vadd.s32 $0xADD083F4, v3;
	v3 =	vadd.s32 $0xB1A83721, v3;
	s6 =	sadd.s32 s10, s8;
	s8 =	simm.s32 $0x1900;
	s4 =	sadd.s32 $0x400, s4  }
.LBB2_1:
0xa: {  	v5 =	vadd.s32 s6, v3;
	v6 =	vadd.s32 s6, v2  }
0xb: {  	v7 =	vadd.s32 s6, v0;
	v8 =	vshrl.u32 v6, $0x13;
	v6 =	vshll.u32 v6, $0xD  }
0xc: {  	v9 =	vshrl.u32 v7, $0x13;
	v7 =	vshll.u32 v7, $0xD;
	v6 =	vor.u32 v8, v6  }
0xd: {  	v8 =	vadd.s32 s6, v1;
	v7 =	vor.u32 v9, v7;
	v6 =	vxor.u32 v5, v6  }
0xe: {  	v7 =	vxor.u32 v8, v7;
	v5 =	vadd.s32 v5, v6;
	v9 =	vshrl.u32 v6, $0x11  }
0xf: {  	v6 =	vshll.u32 v6, $0xF;
	v10 =	vshrl.u32 v7, $0x11;
	v11 =	vshll.u32 v7, $0xF  }
0x10: {  	v7 =	vadd.s32 v8, v7;
	v6 =	vor.u32 v9, v6;
	v8 =	vor.u32 v10, v11  }
0x11: {  	v6 =	vxor.u32 v5, v6;
	v8 =	vxor.u32 v7, v8  }
0x12: {  	v7 =	vadd.s32 v7, v8;
	v9 =	vshrl.u32 v6, $0x6  }
0x13: {  	v10 =	vshll.u32 v6, $0x1A;
	v11 =	vshrl.u32 v8, $0x6;
	v8 =	vshll.u32 v8, $0x1A  }
0x14: {  	v5 =	vadd.s32 v5, v6;
	v6 =	vor.u32 v9, v10;
	v8 =	vor.u32 v11, v8  }
0x15: {  	v6 =	vxor.u32 v5, v6;
	v8 =	vxor.u32 v7, v8  }
0x16: {  	v5 =	vadd.s32 v5, v6;
	v9 =	vshrl.u32 v6, $0x1A;
	v6 =	vshll.u32 v6, $0x6  }
0x17: {  	v10 =	vshrl.u32 v8, $0x1A;
	v11 =	vshll.u32 v8, $0x6;
	v6 =	vor.u32 v9, v6  }
0x18: {  	v7 =	vadd.s32 v7, v8;
	v8 =	vor.u32 v10, v11;
	v6 =	vxor.u32 v5, v6  }
0x19: {  	s10 =	sadd.s32 $0x10, s6;
	v8 =	vxor.u32 v7, v8;
	v6 =	vadd.s32 $0xB5D62B04, v6  }
0x1a: {  	v25 =	vadd.s32 s10, v0;
	v8 =	vadd.s32 $0x66CD0879, v8;
	v5 =	vadd.s32 v6, v5  }
0x1b: {  	v9 =	vshrl.u32 v6, $0xF;
	v7 =	vadd.s32 v8, v7;
	v6 =	vshll.u32 v6, $0x11  }
0x1c: {  	v10 =	vshrl.u32 v8, $0xF;
	v8 =	vshll.u32 v8, $0x11;
	v5 =	vadd.s32 $0xADD083F4, v5  }
0x1d: {  	v6 =	vor.u32 v9, v6;
	v7 =	vadd.s32 $0x1022172D, v7;
	v8 =	vor.u32 v10, v8  }
0x1e: {  	v33 =	vshrl.u32 v25, $0x13;
	v8 =	vxor.u32 v7, v8;
	v6 =	vxor.u32 v5, v6  }
0x1f: {  	v5 =	vadd.s32 v5, v6;
	v9 =	vshrl.u32 v6, $0x3;
	v6 =	vshll.u32 v6, $0x1D  }
0x20: {  	v10 =	vshrl.u32 v8, $0x3;
	v11 =	vshll.u32 v8, $0x1D;
	v6 =	vor.u32 v9, v6  }
0x21: {  	v7 =	vadd.s32 v7, v8;
	v8 =	vor.u32 v10, v11;
	v6 =	vxor.u32 v5, v6  }
0x22: {  	v8 =	vxor.u32 v7, v8;
	v5 =	vadd.s32 v5, v6;
	v9 =	vshrl.u32 v6, $0x10  }
0x23: {  	v10 =	vshrl.u32 v8, $0x10;
	v11 =	vshll.u32 v8, $0x10;
	v6 =	vshll.u32 v6, $0x10  }
0x24: {  	v7 =	vadd.s32 v7, v8;
	v8 =	vor.u32 v10, v11;
	v9 =	vor.u32 v9, v6  }
0x25: {  	v6 =	vadd.s32 s10, v3;
	v8 =	vxor.u32 v7, v8;
	v9 =	vxor.u32 v5, v9  }
0x26: {  	v10 =	vadd.s32 v5, v9;
	v5 =	vshrl.u32 v9, $0x8;
	v9 =	vshll.u32 v9, $0x18  }
0x27: {  	v11 =	vshrl.u32 v8, $0x8;
	v12 =	vshll.u32 v8, $0x18;
	v5 =	vor.u32 v5, v9  }
0x28: {  	v7 =	vadd.s32 v7, v8;
	v8 =	vor.u32 v11, v12;
	v9 =	vxor.u32 v10, v5  }
0x29: {  	v11 =	vadd.s32 s10, v2;
	v8 =	vxor.u32 v7, v8;
	v9 =	vadd.s32 $0x3D7B32F, v9  }
0x2a: {  	v12 =	vshll.u32 v25, $0xD;
	v8 =	vadd.s32 $0x6D3E0491, v8;
	v10 =	vadd.s32 v9, v10  }
0x2b: {  	v7 =	vadd.s32 v8, v7;
	v24 =	vshrl.u32 v9, $0x13;
	v9 =	vshll.u32 v9, $0xD  }
0x2c: {  	v13 =	vshrl.u32 v8, $0x13;
	v8 =	vshll.u32 v8, $0xD;
	v10 =	vadd.s32 $0xB5D62B03, v10  }
0x2d: {  	v7 =	vadd.s32 $0x66CD0878, v7;
	v8 =	vor.u32 v13, v8;
	v9 =	vor.u32 v24, v9  }
0x2e: {  	v5 =	vadd.s32 s10, v1;
	v8 =	vxor.u32 v7, v8;
	v9 =	vxor.u32 v10, v9  }
0x2f: {  	v10 =	vadd.s32 v10, v9;
	v26 =	vshrl.u32 v9, $0x11;
	v9 =	vshll.u32 v9, $0xF  }
0x30: {  	v14 =	vshrl.u32 v8, $0x11;
	v15 =	vshll.u32 v8, $0xF;
	v9 =	vor.u32 v26, v9  }
0x31: {  	v7 =	vadd.s32 v7, v8;
	v8 =	vor.u32 v14, v15;
	v9 =	vxor.u32 v10, v9  }
0x32: {  	v8 =	vxor.u32 v7, v8;
	v10 =	vadd.s32 v10, v9;
	v27 =	vshrl.u32 v9, $0x6  }
0x33: {  	v28 =	vshrl.u32 v8, $0x6;
	v29 =	vshll.u32 v8, $0x1A;
	v9 =	vshll.u32 v9, $0x1A  }
0x34: {  	v7 =	vadd.s32 v7, v8;
	v8 =	vor.u32 v28, v29;
	v9 =	vor.u32 v27, v9  }
0x35: {  	v30 =	vshrl.u32 v11, $0x13;
	v8 =	vxor.u32 v7, v8;
	v9 =	vxor.u32 v10, v9  }
0x36: {  	v10 =	vadd.s32 v10, v9;
	v31 =	vshrl.u32 v9, $0x1A;
	v9 =	vshll.u32 v9, $0x6  }
0x37: {  	v32 =	vshrl.u32 v8, $0x1A;
	v16 =	vshll.u32 v8, $0x6;
	v9 =	vor.u32 v31, v9  }
0x38: {  	v7 =	vadd.s32 v7, v8;
	v8 =	vor.u32 v32, v16;
	v9 =	vxor.u32 v10, v9  }
0x39: {  	v11 =	vshll.u32 v11, $0xD;
	v8 =	vxor.u32 v7, v8;
	v9 =	vadd.s32 $0xADD083F7, v9  }
0x3a: {  	v12 =	vor.u32 v33, v12;
	v8 =	vadd.s32 $0x10221730, v8;
	v10 =	vadd.s32 v9, v10  }
0x3b: {  	v7 =	vadd.s32 v8, v7;
	v34 =	vshrl.u32 v9, $0xF;
	v9 =	vshll.u32 v9, $0x11  }
0x3c: {  	v35 =	vshrl.u32 v8, $0xF;
	v8 =	vshll.u32 v8, $0x11;
	v10 =	vadd.s32 $0x3D7B32D, v10  }
0x3d: {  	v7 =	vadd.s32 $0x6D3E048F, v7;
	v8 =	vor.u32 v35, v8;
	v9 =	vor.u32 v34, v9  }
0x3e: {  	v11 =	vor.u32 v30, v11;
	v8 =	vxor.u32 v7, v8;
	v9 =	vxor.u32 v10, v9  }
0x3f: {  	v10 =	vadd.s32 v10, v9;
	v36 =	vshrl.u32 v9, $0x3;
	v9 =	vshll.u32 v9, $0x1D  }
0x40: {  	v37 =	vshrl.u32 v8, $0x3;
	v17 =	vshll.u32 v8, $0x1D;
	v9 =	vor.u32 v36, v9  }
0x41: {  	v7 =	vadd.s32 v7, v8;
	v8 =	vor.u32 v37, v17;
	v9 =	vxor.u32 v10, v9  }
0x42: {  	v8 =	vxor.u32 v7, v8;
	v10 =	vadd.s32 v10, v9;
	v38 =	vshrl.u32 v9, $0x10  }
0x43: {  	v39 =	vshrl.u32 v8, $0x10;
	v40 =	vshll.u32 v8, $0x10;
	v9 =	vshll.u32 v9, $0x10  }
0x44: {  	v7 =	vadd.s32 v7, v8;
	v8 =	vor.u32 v39, v40;
	v9 =	vor.u32 v38, v9  }
0x45: {  	v12 =	vxor.u32 v5, v12;
	v8 =	vxor.u32 v7, v8;
	v9 =	vxor.u32 v10, v9  }
0x46: {  	v10 =	vadd.s32 v10, v9;
	v41 =	vshrl.u32 v9, $0x8;
	v9 =	vshll.u32 v9, $0x18  }
0x47: {  	v42 =	vshrl.u32 v8, $0x8;
	v43 =	vshll.u32 v8, $0x18;
	v9 =	vor.u32 v41, v9  }
0x48: {  	v7 =	vadd.s32 v7, v8;
	v8 =	vor.u32 v42, v43;
	v9 =	vxor.u32 v10, v9  }
0x49: {  	v11 =	vxor.u32 v6, v11;
	v8 =	vxor.u32 v7, v8;
	v9 =	vadd.s32 $0xB5D62B07, v9  }
0x4a: {  	v5 =	vadd.s32 v5, v12;
	v8 =	vadd.s32 $0x66CD087C, v8;
	v10 =	vadd.s32 v9, v10  }
0x4b: {  	v7 =	vadd.s32 v8, v7;
	v44 =	vshrl.u32 v9, $0x13;
	v9 =	vshll.u32 v9, $0xD  }
0x4c: {  	v45 =	vshrl.u32 v8, $0x13;
	v8 =	vshll.u32 v8, $0xD;
	v10 =	vadd.s32 $0xADD083F4, v10  }
0x4d: {  	v7 =	vadd.s32 $0x1022172D, v7;
	v8 =	vor.u32 v45, v8;
	v9 =	vor.u32 v44, v9  }
0x4e: {  	v56 =	vshrl.u32 v12, $0x11;
	v8 =	vxor.u32 v7, v8;
	v9 =	vxor.u32 v10, v9  }
0x4f: {  	v10 =	vadd.s32 v10, v9;
	v46 =	vshrl.u32 v9, $0x11;
	v9 =	vshll.u32 v9, $0xF  }
0x50: {  	v47 =	vshrl.u32 v8, $0x11;
	v48 =	vshll.u32 v8, $0xF;
	v9 =	vor.u32 v46, v9  }
0x51: {  	v7 =	vadd.s32 v7, v8;
	v8 =	vor.u32 v47, v48;
	v9 =	vxor.u32 v10, v9  }
0x52: {  	v8 =	vxor.u32 v7, v8;
	v10 =	vadd.s32 v10, v9;
	v49 =	vshrl.u32 v9, $0x6  }
0x53: {  	v50 =	vshrl.u32 v8, $0x6;
	v51 =	vshll.u32 v8, $0x1A;
	v9 =	vshll.u32 v9, $0x1A  }
0x54: {  	v7 =	vadd.s32 v7, v8;
	v8 =	vor.u32 v50, v51;
	v9 =	vor.u32 v49, v9  }
0x55: {  	v6 =	vadd.s32 v6, v11;
	v8 =	vxor.u32 v7, v8;
	v9 =	vxor.u32 v10, v9  }
0x56: {  	v7 =	vadd.s32 v7, v8;
	v52 =	vshrl.u32 v8, $0x1A;
	v8 =	vshll.u32 v8, $0x6  }
0x57: {  	v53 =	vshrl.u32 v9, $0x1A;
	v54 =	vshll.u32 v9, $0x6;
	v8 =	vor.u32 v52, v8  }
0x58: {  	v9 =	vadd.s32 v10, v9;
	v10 =	vor.u32 v53, v54;
	v8 =	vxor.u32 v7, v8  }
0x59: {  	v7 =	vadd.s32 $0x66CD0878, v7;
	v10 =	vxor.u32 v9, v10;
	v8 =	vadd.s32 $0x6D3E0494, v8  }
0x5a: {  	v7 =	vxor.u32 v7, v8;
	v8 =	vadd.s32 $0xB5D62B03, v9;
	v9 =	vadd.s32 $0x3D7B332, v10  }
0x5b: {  	v10 =	vshrl.u32 v11, $0x11;
	v8 =	vxor.u32 v8, v9;
	v9 =	vshrl.u32 v7, $0x10  }
0x5c: {  	v11 =	vshll.u32 v11, $0xF;
	v9 =	vmul.u32 $0x61, v9;
	v55 =	vshrl.u32 v8, $0x10  }
0x5d: {  	v7 =	vand.u32 $0xFFFF, v7;
	v10 =	vor.u32 v10, v11;
	v13 =	vmul.u32 $0x61, v55  }
0x5e: {  	v8 =	vand.u32 $0xFFFF, v8;
	v10 =	vxor.u32 v6, v10;
	v7 =	vadd.s32 v7, v9  }
0x5f: {  	v6 =	vadd.s32 v6, v10;
	v57 =	vshrl.u32 v7, $0x10;
	v8 =	vadd.s32 v8, v13  }
0x60: {  	v59 =	vshrl.u32 v10, $0x6;
	v11 =	vmul.u32 $0x61, v57;
	v58 =	vshrl.u32 v8, $0x10  }
0x61: {  	v9 =	vshll.u32 v12, $0xF;
	v7 =	vand.u32 $0xFFFF, v7;
	v12 =	vmul.u32 $0x61, v58  }
0x62: {  	v10 =	vshll.u32 v10, $0x1A;
	v8 =	vand.u32 $0xFFFF, v8;
	v7 =	vadd.s32 v7, v11  }
0x63: {  	v9 =	vor.u32 v56, v9;
	v11 =	vmul.u32 $0xA57F, v7;
	v8 =	vadd.s32 v8, v12  }
0x64: {  	v10 =	vor.u32 v59, v10;
	v9 =	vxor.u32 v5, v9;
	v12 =	vmul.u32 $0xA57F, v8  }
0x65: {  	v5 =	vadd.s32 v5, v9;
	v60 =	vshrl.u32 v9, $0x6;
	v11 =	vshrl.u32 v11, $0x16  }
0x66: {  	v9 =	vshll.u32 v9, $0x1A;
	v11 =	vmul.u32 $0x3FFFFF9D, v11;
	v12 =	vshrl.u32 v12, $0x16  }
0x67: {  	v10 =	vxor.u32 v6, v10;
	v9 =	vor.u32 v60, v9;
	v12 =	vmul.u32 $0xFFFFFF9D, v12  }
0x68: {  	[tilespmem:s2], [sflag:$0x1] =	stream.linear.gather [hbm4b:s3+s2], $0x1900, $0x38;
	v7 =	vadd.s32 v7, v11;
	v11 =	vxor.u32 v5, v9;
	v9 =	vadd.s32 v6, v10;
	[tilespmem:$0x3200] =	vst v63  }
0x69: {  	_ =	swait.ge [sflag:s7], $0x1900;
	v6 =	vshrl.u32 v10, $0x1A;
	v7 =	vshll.u32 v7, $0x2;
	v12 =	vadd.s32 v8, v12  }
0x6a: {  	[sflag:s7] =	ssyncset.done $0x0;
	v8 =	vadd.s32 v5, v11;
	v5 =	vadd.s32 v7, v12;
	v7 =	vshll.u32 v10, $0x6  }
0x6b: {  	s13 =	simm.s32 $0x0;
	[sflag:s7] =	ssyncadd.s32 $0xFFFFE700;
	v10 =	vmul.u32 $0x52D, v5;
	v6 =	vor.u32 v6, v7  }
0x6c: {  	v61 =	vshrl.u32 v11, $0x1A;
	v11 =	vshll.u32 v11, $0x6;
	v62 =	vxor.u32 v9, v6;
	v6 =	vld [tilespmem:s13+$0x0]  }
0x6d: {  	v7 =	vor.u32 v61, v11;
	v63 =	vshrl.u32 v10, $0x11  }
0x6e: {  	s11 =	simm.s32 $0x40;
	s12 =	simm.s32 $0x80;
	v11 =	vxor.u32 v8, v7;
	v10 =	vadd.s32 $0xB5D62B04, v62;
	v7 =	vmul.u32 $0xFFFFFF9D, v63  }
.LBB2_2:
0x6f: {  	p0 =	sne.s32 s12, $0x63C0;
	v11 =	vadd.s32 $0x66CD0879, v11;
	v9 =	vadd.s32 v10, v9;
	v12 =	vshrl.u32 v10, $0xF  }
0x70: {  	v10 =	vshll.u32 v10, $0x11;
	v8 =	vadd.s32 v11, v8;
	v5 =	vadd.s32 v5, v7  }
0x71: {  	v7 =	vshrl.u32 v11, $0xF;
	v11 =	vshll.u32 v11, $0x11;
	vm0 =	vge.s32 v5, v6  }
0x72: {  	v6 =	vadd.s32 $0xADD083F4, v9;
	v9 =	vor.u32 v12, v10;
	v10 =	vsel vm0, $0x1, v4  }
0x73: {  	v8 =	vadd.s32 $0x1022172D, v8;
	v7 =	vor.u32 v7, v11;
	v5 =	vadd.s32 v10, v5  }
0x74: {  	v7 =	vxor.u32 v8, v7;
	v9 =	vxor.u32 v6, v9;
	[tilespmem:s13+$0x1900] =	vst v5  }
0x75: {  	v5 =	vadd.s32 v6, v9;
	v6 =	vshrl.u32 v9, $0x3;
	v9 =	vshll.u32 v9, $0x1D  }
0x76: {  	v10 =	vshrl.u32 v7, $0x3;
	v11 =	vshll.u32 v7, $0x1D;
	v6 =	vor.u32 v6, v9  }
0x77: {  	v7 =	vadd.s32 v8, v7;
	v8 =	vor.u32 v10, v11;
	v6 =	vxor.u32 v5, v6  }
0x78: {  	v8 =	vxor.u32 v7, v8;
	v5 =	vadd.s32 v5, v6;
	v9 =	vshrl.u32 v6, $0x10  }
0x79: {  	v10 =	vshrl.u32 v8, $0x10;
	v11 =	vshll.u32 v8, $0x10;
	v6 =	vshll.u32 v6, $0x10  }
0x7a: {  	s10 =	sadd.s32 $0x10, s10;
	v7 =	vadd.s32 v7, v8;
	v8 =	vor.u32 v10, v11;
	v9 =	vor.u32 v9, v6  }
0x7b: {  	v6 =	vadd.s32 s10, v3;
	v8 =	vxor.u32 v7, v8;
	v9 =	vxor.u32 v5, v9  }
0x7c: {  	v10 =	vadd.s32 v5, v9;
	v5 =	vshrl.u32 v9, $0x8;
	v9 =	vshll.u32 v9, $0x18  }
0x7d: {  	v11 =	vshrl.u32 v8, $0x8;
	v12 =	vshll.u32 v8, $0x18;
	v5 =	vor.u32 v5, v9  }
0x7e: {  	v7 =	vadd.s32 v7, v8;
	v8 =	vor.u32 v11, v12;
	v9 =	vxor.u32 v10, v5  }
0x7f: {  	v8 =	vxor.u32 v7, v8;
	v5 =	vadd.s32 s10, v1;
	v9 =	vadd.s32 $0x3D7B32F, v9  }
0x80: {  	v11 =	vadd.s32 s10, v2;
	v8 =	vadd.s32 $0x6D3E0491, v8;
	v10 =	vadd.s32 v9, v10  }
0x81: {  	v7 =	vadd.s32 v8, v7;
	v12 =	vshrl.u32 v9, $0x13;
	v9 =	vshll.u32 v9, $0xD  }
0x82: {  	v13 =	vshrl.u32 v8, $0x13;
	v8 =	vshll.u32 v8, $0xD;
	v10 =	vadd.s32 $0xB5D62B03, v10  }
0x83: {  	v7 =	vadd.s32 $0x66CD0878, v7;
	v8 =	vor.u32 v13, v8;
	v9 =	vor.u32 v12, v9  }
0x84: {  	v12 =	vadd.s32 s10, v0;
	v8 =	vxor.u32 v7, v8;
	v9 =	vxor.u32 v10, v9  }
0x85: {  	v10 =	vadd.s32 v10, v9;
	v13 =	vshrl.u32 v9, $0x11;
	v9 =	vshll.u32 v9, $0xF  }
0x86: {  	v14 =	vshrl.u32 v8, $0x11;
	v15 =	vshll.u32 v8, $0xF;
	v9 =	vor.u32 v13, v9  }
0x87: {  	v7 =	vadd.s32 v7, v8;
	v8 =	vor.u32 v14, v15;
	v9 =	vxor.u32 v10, v9  }
0x88: {  	v8 =	vxor.u32 v7, v8;
	v10 =	vadd.s32 v10, v9;
	v13 =	vshrl.u32 v9, $0x6  }
0x89: {  	v14 =	vshrl.u32 v8, $0x6;
	v15 =	vshll.u32 v8, $0x1A;
	v9 =	vshll.u32 v9, $0x1A  }
0x8a: {  	v7 =	vadd.s32 v7, v8;
	v8 =	vor.u32 v14, v15;
	v9 =	vor.u32 v13, v9  }
0x8b: {  	v13 =	vshrl.u32 v11, $0x13;
	v8 =	vxor.u32 v7, v8;
	v9 =	vxor.u32 v10, v9  }
0x8c: {  	v10 =	vadd.s32 v10, v9;
	v14 =	vshrl.u32 v9, $0x1A;
	v9 =	vshll.u32 v9, $0x6  }
0x8d: {  	v15 =	vshrl.u32 v8, $0x1A;
	v16 =	vshll.u32 v8, $0x6;
	v9 =	vor.u32 v14, v9  }
0x8e: {  	v7 =	vadd.s32 v7, v8;
	v8 =	vor.u32 v15, v16;
	v9 =	vxor.u32 v10, v9  }
0x8f: {  	v11 =	vshll.u32 v11, $0xD;
	v8 =	vxor.u32 v7, v8;
	v9 =	vadd.s32 $0xADD083F7, v9  }
0x90: {  	v14 =	vshrl.u32 v12, $0x13;
	v8 =	vadd.s32 $0x10221730, v8;
	v10 =	vadd.s32 v9, v10  }
0x91: {  	v7 =	vadd.s32 v8, v7;
	v15 =	vshrl.u32 v9, $0xF;
	v9 =	vshll.u32 v9, $0x11  }
0x92: {  	v16 =	vshrl.u32 v8, $0xF;
	v8 =	vshll.u32 v8, $0x11;
	v10 =	vadd.s32 $0x3D7B32D, v10  }
0x93: {  	v7 =	vadd.s32 $0x6D3E048F, v7;
	v8 =	vor.u32 v16, v8;
	v9 =	vor.u32 v15, v9  }
0x94: {  	v12 =	vshll.u32 v12, $0xD;
	v8 =	vxor.u32 v7, v8;
	v9 =	vxor.u32 v10, v9  }
0x95: {  	v10 =	vadd.s32 v10, v9;
	v15 =	vshrl.u32 v9, $0x3;
	v9 =	vshll.u32 v9, $0x1D  }
0x96: {  	v16 =	vshrl.u32 v8, $0x3;
	v17 =	vshll.u32 v8, $0x1D;
	v9 =	vor.u32 v15, v9  }
0x97: {  	v7 =	vadd.s32 v7, v8;
	v8 =	vor.u32 v16, v17;
	v9 =	vxor.u32 v10, v9  }
0x98: {  	v8 =	vxor.u32 v7, v8;
	v10 =	vadd.s32 v10, v9;
	v15 =	vshrl.u32 v9, $0x10  }
0x99: {  	v16 =	vshrl.u32 v8, $0x10;
	v17 =	vshll.u32 v8, $0x10;
	v9 =	vshll.u32 v9, $0x10  }
0x9a: {  	v7 =	vadd.s32 v7, v8;
	v8 =	vor.u32 v16, v17;
	v9 =	vor.u32 v15, v9  }
0x9b: {  	v11 =	vor.u32 v13, v11;
	v8 =	vxor.u32 v7, v8;
	v9 =	vxor.u32 v10, v9  }
0x9c: {  	v10 =	vadd.s32 v10, v9;
	v13 =	vshrl.u32 v9, $0x8;
	v9 =	vshll.u32 v9, $0x18  }
0x9d: {  	v15 =	vshrl.u32 v8, $0x8;
	v16 =	vshll.u32 v8, $0x18;
	v9 =	vor.u32 v13, v9  }
0x9e: {  	v7 =	vadd.s32 v7, v8;
	v8 =	vor.u32 v15, v16;
	v9 =	vxor.u32 v10, v9  }
0x9f: {  	v12 =	vor.u32 v14, v12;
	v8 =	vxor.u32 v7, v8;
	v9 =	vadd.s32 $0xB5D62B07, v9  }
0xa0: {  	v11 =	vxor.u32 v6, v11;
	v8 =	vadd.s32 $0x66CD087C, v8;
	v10 =	vadd.s32 v9, v10  }
0xa1: {  	v7 =	vadd.s32 v8, v7;
	v13 =	vshrl.u32 v9, $0x13;
	v9 =	vshll.u32 v9, $0xD  }
0xa2: {  	v14 =	vshrl.u32 v8, $0x13;
	v8 =	vshll.u32 v8, $0xD;
	v10 =	vadd.s32 $0xADD083F4, v10  }
0xa3: {  	v7 =	vadd.s32 $0x1022172D, v7;
	v8 =	vor.u32 v14, v8;
	v9 =	vor.u32 v13, v9  }
0xa4: {  	v12 =	vxor.u32 v5, v12;
	v8 =	vxor.u32 v7, v8;
	v9 =	vxor.u32 v10, v9  }
0xa5: {  	v10 =	vadd.s32 v10, v9;
	v13 =	vshrl.u32 v9, $0x11;
	v9 =	vshll.u32 v9, $0xF  }
0xa6: {  	v14 =	vshrl.u32 v8, $0x11;
	v15 =	vshll.u32 v8, $0xF;
	v9 =	vor.u32 v13, v9  }
0xa7: {  	v7 =	vadd.s32 v7, v8;
	v8 =	vor.u32 v14, v15;
	v9 =	vxor.u32 v10, v9  }
0xa8: {  	v8 =	vxor.u32 v7, v8;
	v10 =	vadd.s32 v10, v9;
	v13 =	vshrl.u32 v9, $0x6  }
0xa9: {  	v14 =	vshrl.u32 v8, $0x6;
	v15 =	vshll.u32 v8, $0x1A;
	v9 =	vshll.u32 v9, $0x1A  }
0xaa: {  	v7 =	vadd.s32 v7, v8;
	v8 =	vor.u32 v14, v15;
	v9 =	vor.u32 v13, v9  }
0xab: {  	v6 =	vadd.s32 v6, v11;
	v8 =	vxor.u32 v7, v8;
	v9 =	vxor.u32 v10, v9  }
0xac: {  	v7 =	vadd.s32 v7, v8;
	v13 =	vshrl.u32 v8, $0x1A;
	v8 =	vshll.u32 v8, $0x6  }
0xad: {  	v8 =	vor.u32 v13, v8;
	v13 =	vshrl.u32 v9, $0x1A;
	v14 =	vshll.u32 v9, $0x6  }
0xae: {  	v9 =	vadd.s32 v10, v9;
	v8 =	vxor.u32 v7, v8;
	v10 =	vor.u32 v13, v14  }
0xaf: {  	v7 =	vadd.s32 $0x66CD0878, v7;
	v8 =	vadd.s32 $0x6D3E0494, v8;
	v10 =	vxor.u32 v9, v10  }
0xb0: {  	v7 =	vxor.u32 v7, v8;
	v8 =	vadd.s32 $0xB5D62B03, v9;
	v9 =	vadd.s32 $0x3D7B332, v10  }
0xb1: {  	v5 =	vadd.s32 v5, v12;
	v8 =	vxor.u32 v8, v9;
	v9 =	vshrl.u32 v7, $0x10  }
0xb2: {  	v10 =	vshrl.u32 v11, $0x11;
	v9 =	vmul.u32 $0x61, v9;
	v13 =	vshrl.u32 v8, $0x10  }
0xb3: {  	v11 =	vshll.u32 v11, $0xF;
	v7 =	vand.u32 $0xFFFF, v7;
	v13 =	vmul.u32 $0x61, v13  }
0xb4: {  	v14 =	vshrl.u32 v12, $0x11;
	v8 =	vand.u32 $0xFFFF, v8;
	v7 =	vadd.s32 v7, v9  }
0xb5: {  	v9 =	vshll.u32 v12, $0xF;
	v12 =	vshrl.u32 v7, $0x10;
	v8 =	vadd.s32 v8, v13  }
0xb6: {  	v10 =	vor.u32 v10, v11;
	v11 =	vmul.u32 $0x61, v12;
	v12 =	vshrl.u32 v8, $0x10  }
0xb7: {  	v9 =	vor.u32 v14, v9;
	v7 =	vand.u32 $0xFFFF, v7;
	v12 =	vmul.u32 $0x61, v12  }
0xb8: {  	v10 =	vxor.u32 v6, v10;
	v8 =	vand.u32 $0xFFFF, v8;
	v7 =	vadd.s32 v7, v11  }
0xb9: {  	v9 =	vxor.u32 v5, v9;
	v11 =	vmul.u32 $0xA57F, v7;
	v8 =	vadd.s32 v8, v12  }
0xba: {  	v6 =	vadd.s32 v6, v10;
	v5 =	vadd.s32 v5, v9;
	v12 =	vmul.u32 $0xA57F, v8  }
0xbb: {  	v13 =	vshrl.u32 v10, $0x6;
	v10 =	vshll.u32 v10, $0x1A;
	v11 =	vshrl.u32 v11, $0x16  }
0xbc: {  	v14 =	vshrl.u32 v9, $0x6;
	v11 =	vmul.u32 $0x3FFFFF9D, v11;
	v12 =	vshrl.u32 v12, $0x16  }
0xbd: {  	v10 =	vor.u32 v13, v10;
	v9 =	vshll.u32 v9, $0x1A;
	v12 =	vmul.u32 $0xFFFFFF9D, v12  }
0xbe: {  	v10 =	vxor.u32 v6, v10;
	v9 =	vor.u32 v14, v9;
	v7 =	vadd.s32 v7, v11  }
0xbf: {  	v11 =	vxor.u32 v5, v9;
	v7 =	vshll.u32 v7, $0x2;
	v12 =	vadd.s32 v8, v12  }
.Ltmp0:
0xc0: {  	v9 =	vadd.s32 v6, v10;
	v8 =	vadd.s32 v5, v11;
	v5 =	vadd.s32 v7, v12;
	(pc) =	sbr.rel @p0 .LBB2_2-.Ltmp0, $4  }
0xc1: {  	s13 =	sshra.s32 s11, $0x2;
	s11 =	smov.u32 s12;
	v6 =	vshrl.u32 v10, $0x1A;
	v7 =	vshll.u32 v10, $0x6;
	v10 =	vmul.u32 $0x52D, v5  }
0xc2: {  	v12 =	vshrl.u32 v11, $0x1A;
	v11 =	vshll.u32 v11, $0x6;
	v7 =	vor.u32 v6, v7;
	v6 =	vld [tilespmem:s13+$0x0]  }
0xc3: {  	v11 =	vor.u32 v12, v11;
	v7 =	vxor.u32 v9, v7;
	v12 =	vshrl.u32 v10, $0x11  }
0xc4: {  	s12 =	sadd.s32 $0x40, s12;
	v11 =	vxor.u32 v8, v11;
	v10 =	vadd.s32 $0xB5D62B04, v7;
	v7 =	vmul.u32 $0xFFFFFF9D, v12  }
0xc5: {  	v11 =	vadd.s32 $0x66CD0879, v11;
	v9 =	vadd.s32 v10, v9  }
0xc6: {  	v12 =	vshrl.u32 v10, $0xF;
	v53 =	vshll.u32 v10, $0x11;
	v8 =	vadd.s32 v11, v8  }
0xc7: {  	v13 =	vshrl.u32 v11, $0xF;
	v11 =	vshll.u32 v11, $0x11;
	v9 =	vadd.s32 $0xADD083F4, v9  }
0xc8: {  	v10 =	vor.u32 v12, v53;
	v8 =	vadd.s32 $0x1022172D, v8;
	v11 =	vor.u32 v13, v11  }
0xc9: {  	v10 =	vxor.u32 v9, v10;
	v11 =	vxor.u32 v8, v11  }
0xca: {  	v9 =	vadd.s32 v9, v10;
	v54 =	vshrl.u32 v10, $0x3;
	v10 =	vshll.u32 v10, $0x1D  }
0xcb: {  	v55 =	vshrl.u32 v11, $0x3;
	v14 =	vshll.u32 v11, $0x1D;
	v10 =	vor.u32 v54, v10  }
0xcc: {  	v8 =	vadd.s32 v8, v11;
	v56 =	vor.u32 v55, v14;
	v10 =	vxor.u32 v9, v10  }
0xcd: {  	v11 =	vxor.u32 v8, v56;
	v9 =	vadd.s32 v9, v10;
	v57 =	vshrl.u32 v10, $0x10  }
0xce: {  	v10 =	vshll.u32 v10, $0x10;
	v58 =	vshrl.u32 v11, $0x10;
	v59 =	vshll.u32 v11, $0x10  }
0xcf: {  	v8 =	vadd.s32 v8, v11;
	v10 =	vor.u32 v57, v10;
	v60 =	vor.u32 v58, v59  }
0xd0: {  	v10 =	vxor.u32 v9, v10;
	v11 =	vxor.u32 v8, v60  }
0xd1: {  	v9 =	vadd.s32 v9, v10;
	v61 =	vshrl.u32 v10, $0x8;
	v10 =	vshll.u32 v10, $0x18  }
0xd2: {  	v62 =	vshrl.u32 v11, $0x8;
	v63 =	vshll.u32 v11, $0x18;
	v10 =	vor.u32 v61, v10  }
0xd3: {  	v8 =	vadd.s32 v8, v11;
	v16 =	vor.u32 v62, v63;
	v10 =	vxor.u32 v9, v10  }
0xd4: {  	v11 =	vxor.u32 v8, v16;
	v10 =	vadd.s32 $0x3D7B32F, v10  }
0xd5: {  	v11 =	vadd.s32 $0x6D3E0491, v11;
	v9 =	vadd.s32 v10, v9  }
0xd6: {  	v17 =	vshrl.u32 v10, $0x13;
	v10 =	vshll.u32 v10, $0xD;
	v8 =	vadd.s32 v11, v8  }
0xd7: {  	v18 =	vshrl.u32 v11, $0x13;
	v11 =	vshll.u32 v11, $0xD;
	v9 =	vadd.s32 $0xB5D62B03, v9  }
0xd8: {  	v10 =	vor.u32 v17, v10;
	v8 =	vadd.s32 $0x66CD0878, v8;
	v11 =	vor.u32 v18, v11  }
0xd9: {  	v10 =	vxor.u32 v9, v10;
	v11 =	vxor.u32 v8, v11  }
0xda: {  	v9 =	vadd.s32 v9, v10;
	v19 =	vshrl.u32 v10, $0x11;
	v10 =	vshll.u32 v10, $0xF  }
0xdb: {  	v20 =	vshrl.u32 v11, $0x11;
	v21 =	vshll.u32 v11, $0xF;
	v10 =	vor.u32 v19, v10  }
0xdc: {  	v8 =	vadd.s32 v8, v11;
	v22 =	vor.u32 v20, v21;
	v10 =	vxor.u32 v9, v10  }
0xdd: {  	v11 =	vxor.u32 v8, v22;
	v9 =	vadd.s32 v9, v10;
	v23 =	vshrl.u32 v10, $0x6  }
0xde: {  	v10 =	vshll.u32 v10, $0x1A;
	v24 =	vshrl.u32 v11, $0x6;
	v25 =	vshll.u32 v11, $0x1A  }
0xdf: {  	v8 =	vadd.s32 v8, v11;
	v10 =	vor.u32 v23, v10;
	v26 =	vor.u32 v24, v25  }
0xe0: {  	v10 =	vxor.u32 v9, v10;
	v11 =	vxor.u32 v8, v26  }
0xe1: {  	v9 =	vadd.s32 v9, v10;
	v27 =	vshrl.u32 v10, $0x1A;
	v10 =	vshll.u32 v10, $0x6  }
0xe2: {  	v28 =	vshrl.u32 v11, $0x1A;
	v29 =	vshll.u32 v11, $0x6;
	v10 =	vor.u32 v27, v10  }
0xe3: {  	v8 =	vadd.s32 v8, v11;
	v30 =	vor.u32 v28, v29;
	v10 =	vxor.u32 v9, v10  }
0xe4: {  	v11 =	vxor.u32 v8, v30;
	v10 =	vadd.s32 $0xADD083F7, v10  }
0xe5: {  	v11 =	vadd.s32 $0x10221730, v11;
	v9 =	vadd.s32 v10, v9  }
0xe6: {  	v31 =	vshrl.u32 v10, $0xF;
	v10 =	vshll.u32 v10, $0x11;
	v8 =	vadd.s32 v11, v8  }
0xe7: {  	v32 =	vshrl.u32 v11, $0xF;
	v11 =	vshll.u32 v11, $0x11;
	v9 =	vadd.s32 $0x3D7B32D, v9  }
0xe8: {  	v10 =	vor.u32 v31, v10;
	v8 =	vadd.s32 $0x6D3E048F, v8;
	v11 =	vor.u32 v32, v11  }
0xe9: {  	v10 =	vxor.u32 v9, v10;
	v11 =	vxor.u32 v8, v11  }
0xea: {  	v9 =	vadd.s32 v9, v10;
	v33 =	vshrl.u32 v10, $0x3;
	v10 =	vshll.u32 v10, $0x1D  }
0xeb: {  	v34 =	vshrl.u32 v11, $0x3;
	v35 =	vshll.u32 v11, $0x1D;
	v10 =	vor.u32 v33, v10  }
0xec: {  	v8 =	vadd.s32 v8, v11;
	v36 =	vor.u32 v34, v35;
	v10 =	vxor.u32 v9, v10  }
0xed: {  	v11 =	vxor.u32 v8, v36;
	v9 =	vadd.s32 v9, v10;
	v37 =	vshrl.u32 v10, $0x10  }
0xee: {  	v10 =	vshll.u32 v10, $0x10;
	v38 =	vshrl.u32 v11, $0x10;
	v39 =	vshll.u32 v11, $0x10  }
0xef: {  	v8 =	vadd.s32 v8, v11;
	v10 =	vor.u32 v37, v10;
	v40 =	vor.u32 v38, v39  }
0xf0: {  	v10 =	vxor.u32 v9, v10;
	v11 =	vxor.u32 v8, v40  }
0xf1: {  	v9 =	vadd.s32 v9, v10;
	v41 =	vshrl.u32 v10, $0x8;
	v10 =	vshll.u32 v10, $0x18  }
0xf2: {  	v42 =	vshrl.u32 v11, $0x8;
	v43 =	vshll.u32 v11, $0x18;
	v10 =	vor.u32 v41, v10  }
0xf3: {  	v8 =	vadd.s32 v8, v11;
	v44 =	vor.u32 v42, v43;
	v10 =	vxor.u32 v9, v10  }
0xf4: {  	v11 =	vxor.u32 v8, v44;
	v10 =	vadd.s32 $0xB5D62B07, v10  }
0xf5: {  	v11 =	vadd.s32 $0x66CD087C, v11;
	v9 =	vadd.s32 v10, v9  }
0xf6: {  	v45 =	vshrl.u32 v10, $0x13;
	v10 =	vshll.u32 v10, $0xD;
	v8 =	vadd.s32 v11, v8  }
0xf7: {  	v46 =	vshrl.u32 v11, $0x13;
	v11 =	vshll.u32 v11, $0xD;
	v9 =	vadd.s32 $0xADD083F4, v9  }
0xf8: {  	v10 =	vor.u32 v45, v10;
	v8 =	vadd.s32 $0x1022172D, v8;
	v11 =	vor.u32 v46, v11  }
0xf9: {  	v10 =	vxor.u32 v9, v10;
	v11 =	vxor.u32 v8, v11  }
0xfa: {  	v9 =	vadd.s32 v9, v10;
	v47 =	vshrl.u32 v10, $0x11;
	v10 =	vshll.u32 v10, $0xF  }
0xfb: {  	v48 =	vshrl.u32 v11, $0x11;
	v49 =	vshll.u32 v11, $0xF;
	v10 =	vor.u32 v47, v10  }
0xfc: {  	v8 =	vadd.s32 v8, v11;
	v50 =	vor.u32 v48, v49;
	v10 =	vxor.u32 v9, v10  }
0xfd: {  	v11 =	vxor.u32 v8, v50;
	v9 =	vadd.s32 v9, v10;
	v51 =	vshrl.u32 v10, $0x6  }
0xfe: {  	v10 =	vshll.u32 v10, $0x1A;
	v52 =	vshrl.u32 v11, $0x6;
	v53 =	vshll.u32 v11, $0x1A  }
0xff: {  	v8 =	vadd.s32 v8, v11;
	v10 =	vor.u32 v51, v10;
	v54 =	vor.u32 v52, v53  }
0x100: {  	v10 =	vxor.u32 v9, v10;
	v11 =	vxor.u32 v8, v54  }
0x101: {  	v8 =	vadd.s32 v8, v11;
	v55 =	vshrl.u32 v11, $0x1A;
	v11 =	vshll.u32 v11, $0x6  }
0x102: {  	v56 =	vshrl.u32 v10, $0x1A;
	v57 =	vshll.u32 v10, $0x6;
	v11 =	vor.u32 v55, v11  }
0x103: {  	v9 =	vadd.s32 v9, v10;
	v59 =	vor.u32 v56, v57;
	v58 =	vxor.u32 v8, v11  }
0x104: {  	v8 =	vadd.s32 $0x66CD0878, v8;
	v11 =	vxor.u32 v9, v59;
	v10 =	vadd.s32 $0x6D3E0494, v58  }
0x105: {  	v9 =	vadd.s32 $0xB5D62B03, v9;
	v60 =	vadd.s32 $0x3D7B332, v11;
	v8 =	vxor.u32 v8, v10  }
0x106: {  	v9 =	vxor.u32 v9, v60;
	v61 =	vshrl.u32 v8, $0x10  }
0x107: {  	v62 =	vshrl.u32 v9, $0x10;
	v10 =	vmul.u32 $0x61, v61  }
0x108: {  	v8 =	vand.u32 $0xFFFF, v8;
	v11 =	vmul.u32 $0x61, v62  }
0x109: {  	v9 =	vand.u32 $0xFFFF, v9;
	v8 =	vadd.s32 v8, v10  }
0x10a: {  	v9 =	vadd.s32 v9, v11;
	v10 =	vshrl.u32 v8, $0x10  }
0x10b: {  	v11 =	vshrl.u32 v9, $0x10;
	v10 =	vmul.u32 $0x61, v10  }
0x10c: {  	v8 =	vand.u32 $0xFFFF, v8;
	v11 =	vmul.u32 $0x61, v11  }
0x10d: {  	v9 =	vand.u32 $0xFFFF, v9;
	v8 =	vadd.s32 v8, v10  }
0x10e: {  	v9 =	vadd.s32 v9, v11;
	v10 =	vmul.u32 $0xA57F, v8  }
0x10f: {  	v11 =	vmul.u32 $0xA57F, v9  }
0x110: {  	v10 =	vshrl.u32 v10, $0x16  }
0x111: {  	v11 =	vshrl.u32 v11, $0x16;
	v10 =	vmul.u32 $0x3FFFFF9D, v10  }
0x112: {  	v5 =	vadd.s32 v5, v7;
	v7 =	vmul.u32 $0xFFFFFF9D, v11  }
0x113: {  	vm0 =	vge.s32 v5, v6;
	v6 =	vadd.s32 v8, v10  }
0x114: {  	v63 =	vsel vm0, $0x1, v4;
	v7 =	vadd.s32 v9, v7;
	v6 =	vshll.u32 v6, $0x2  }
0x115: {  	v5 =	vadd.s32 v63, v5;
	v6 =	vadd.s32 v6, v7  }
0x116: {  	s10 =	sshra.s32 s11, $0x2;
	[tilespmem:s13+$0x1900] =	vst v5;
	v5 =	vmul.u32 $0x52D, v6  }
0x117: {  	v7 =	vld [tilespmem:s10+$0x0]  }
0x118: {  	v5 =	vshrl.u32 v5, $0x11  }
0x119: {  	v5 =	vmul.u32 $0xFFFFFF9D, v5;
	_ =	sdelay $0x1  }
0x11a: {  	v5 =	vadd.s32 v6, v5  }
0x11b: {  	vm15 =	vge.s32 v5, v7  }
0x11c: {  	s9 =	sadd.s32 $0x1, s9;
	v6 =	vsel vm15, $0x1, v4  }
0x11d: {  	p0 =	sne.s32 s9, s5;
	v5 =	vadd.s32 v6, v5  }
.Ltmp1:
0x11e: {  	[tilespmem:s10+$0x1900] =	vst v5;
	(pc) =	sbr.rel @p0 .LBB2_1-.Ltmp1, $4  }
0x11f: {  	[hbm4b:s4+s2] =	stream.linear.scatter [tilespmem:s8], [sflag:$0x1], $0x1900, $0x38;
	[tilespmem:$0x3200] =	vst v63  }
0x120: {  	_ =	swait.ge [sflag:s7], $0x1900  }
0x121: {  	[sflag:s7] =	ssyncset.done $0x0  }
0x122: {  	[sflag:s7] =	ssyncadd.s32 $0xFFFFE700  }
0x123: {  	_ =	sfence.sel $0x180000  }
0x124: {  	[bflag:$0x0] =	sbarrier.arrive $0xFFFF  }
0x125: {  	p0 =	sne.s32 s0, $0x0;
	_ =	strace $0x90000047  }
0x126: {  	s0 =	sadd.s32 @!p0 $0x100000, s1;
	[bflag:$0x2] =	sbarrier.arrive $0xFFFF  }
0x127: {  	[sflag:s0] =	ssyncadd.tile.s32 @!p0 $0x1;
	_ =	shalt  }
.Lfunc_end2:
_tile_overlayer_lowered:
.L_overlay_start_2:
0x128: {  	(tag) =	ssettag $0x2  }
0x129: {  	s0 =	rddreg [dreg:$0x0];
	s2 =	stileid.u32  }
0x12a: {  	s1 =	rddreg [dreg:$0x1];
	p0 =	sne.s32 s2, $0x0  }
0x12b: {  	s3 =	rddreg [dreg:$0x2];
	[bflag:$0x3] =	sbarrier.arrive $0xFFFF;
	s2 =	simm.s32 @!p0 $0x1C01  }
0x12c: {  	[timem:s3], [sflag:s2] =	dma.local @!p0 [hbm:s0], s1  }
0x12d: {  	s0 =	simm.s32 @!p0 $0x1  }
0x12e: {  	_ =	swait.ge @!p0 [sflag:s0], s1  }
0x12f: {  	s1 =	ssub.s32 @!p0 $0x0, s1;
	[sflag:s0] =	ssyncset.done @!p0 $0x0  }
0x130: {  	[sflag:s0] =	ssyncadd.s32 @!p0 s1  }
0x131: {  	[bflag:$0x3] =	sbarrier.arrive $0xFFFF  }
0x132: {  	_ =	shalt  }

</sc_bundles>
